<compile_context>
chip_gen: v7x
topology: tpu7x:2x2x1
jax: 0.10.2.dev20260603
libtpu: 0.0.44.dev20260713+nightly
codegen_flags: <defaults>
</compile_context>

<pallas_src>
import functools

import jax
import jax.numpy as jnp
from jax import lax
from jax.experimental import pallas as pl
from jax.experimental.pallas import tpu as pltpu
from jax.experimental.pallas import tpu_sc as plsc

N_CAMS = 500
N_PTS = 50000
NNZ = 500000
D = 128

PTS_PAD = 50048
CAMS_PAD = 512
NNZ_BLOCKS = 977
NNZ_RPAD = NNZ_BLOCKS * 512
IDX_ROWS = 3968
NNZ_PAD = IDX_ROWS * 128
ROW_DUMP = 504

P2_ROWS_PER_TILE = IDX_ROWS // 32
P2_BLOCKS = 62

_MESH = plsc.VectorSubcoreMesh(core_axis_name="c", subcore_axis_name="s")
_HI = lax.Precision.HIGHEST


@functools.partial(
    pl.kernel,
    out_type=jax.ShapeDtypeStruct((NNZ_PAD, D), jnp.float32),
    mesh=_MESH,
    scratch_types=dict(
        cb0=pltpu.VMEM((2, 128), jnp.int32),
        cb1=pltpu.VMEM((2, 128), jnp.int32),
        ab0=pltpu.VMEM((256, D), jnp.float32),
        ab1=pltpu.VMEM((256, D), jnp.float32),
        sem0=pltpu.SemaphoreType.DMA,
        sem1=pltpu.SemaphoreType.DMA,
    ),
)
def _gather_a(a_tbl, cidx2, gath, *, cb0, cb1, ab0, ab1, sem0, sem1):
    c = lax.axis_index("c")
    s = lax.axis_index("s")
    w = s * 2 + c
    tile_row = w * P2_ROWS_PER_TILE

    def start(k, cb, ab, sem):
        pltpu.sync_copy(cidx2.at[pl.ds(tile_row + k * 2, 2)], cb)
        for j in range(2):
            pltpu.async_copy(a_tbl.at[cb.at[j]],
                             ab.at[pl.ds(j * 128, 128)], sem)

    def drain(k, cb, ab, sem):
        for j in range(2):
            pltpu.make_async_copy(a_tbl.at[cb.at[j]],
                                  ab.at[pl.ds(j * 128, 128)], sem).wait()
        pltpu.sync_copy(ab, gath.at[pl.ds((tile_row + k * 2) * 128, 256)])

    start(0, cb0, ab0, sem0)

    def pair(p, _):
        k0, k1 = 2 * p, 2 * p + 1
        start(k1, cb1, ab1, sem1)
        drain(k0, cb0, ab0, sem0)

        @pl.when(p < P2_BLOCKS // 2 - 1)
        def _():
            start(k0 + 2, cb0, ab0, sem0)

        drain(k1, cb1, ab1, sem1)
        return 0

    lax.fori_loop(0, P2_BLOCKS // 2, pair, 0)


def _rows_body(v_ref, rid_ref, rs_ref, rc_ref):
    i = pl.program_id(0)

    @pl.when(i == 0)
    def _():
        rs_ref[...] = jnp.zeros((CAMS_PAD, D), jnp.float32)
        rc_ref[...] = jnp.zeros((CAMS_PAD, D), jnp.float32)

    valid = (lax.broadcasted_iota(jnp.int32, (512, 1), 0) + i * 512) < NNZ
    v = jnp.where(valid, v_ref[...], 0.0)
    rid = rid_ref[...][0, 0]
    oh = (rid[:, None]
          == lax.broadcasted_iota(jnp.int32, (512, CAMS_PAD), 1))
    oh = jnp.where(valid, oh.astype(jnp.float32), 0.0)
    dn = (((0,), (0,)), ((), ()))
    rs_ref[...] += lax.dot_general(oh, v, dn)
    rc_ref[...] += lax.dot_general(oh, jnp.ones((512, D), jnp.float32), dn)


def _tables_body(cm_ref, rs_ref, rc_ref, wn_ref, wm_ref, wb_ref,
                 bsum_ref, bm_ref, a_ref, b_ref):
    rmask = lax.broadcasted_iota(jnp.int32, (CAMS_PAD, 1), 0) < N_CAMS
    rs = jnp.where(rmask, rs_ref[...], 0.0)
    g = jnp.sum(rs, axis=0, keepdims=True)
    go = jnp.dot(g, wb_ref[...], precision=_HI)
    const = 0.25 * (bsum_ref[...] + go * (1.0 / NNZ))
    rmean = rs / jnp.maximum(rc_ref[...], 1.0)
    bmat = 0.25 * (jnp.dot(rmean, wm_ref[...], precision=_HI) + bm_ref[...])
    b_ref[...] = jnp.where(rmask, bmat, 0.0)
    a_ref[...] = (0.25 * jnp.dot(cm_ref[...], wn_ref[...], precision=_HI)
                  + const)


def _final_body(v_ref, g_ref, rid_ref, wa_ref, b_ref, out_ref):
    rid = rid_ref[...][0, 0]
    oh = (rid[:, None]
          == lax.broadcasted_iota(jnp.int32, (512, CAMS_PAD), 1))
    oh = oh.astype(jnp.float32)
    out_ref[...] = (0.25 * jnp.dot(v_ref[...], wa_ref[...])
                    + g_ref[...]
                    + jnp.dot(oh, b_ref[...]))


def kernel(values, row_idx, col_idx, W_all, b_all, W_n, b_n, W_m, b_m,
           W_both, b_both):
    f32 = jnp.float32
    row_idx = row_idx.astype(jnp.int32)
    col_idx = col_idx.astype(jnp.int32)

    rid3 = jnp.concatenate(
        [row_idx, jnp.full((NNZ_RPAD - NNZ,), ROW_DUMP, jnp.int32)]
    ).reshape(NNZ_BLOCKS, 1, 512)
    cidx2 = jnp.concatenate(
        [col_idx, jnp.zeros((NNZ_PAD - NNZ,), jnp.int32)]
    ).reshape(IDX_ROWS, 128)

    ccnt = jax.ops.segment_sum(jnp.ones((NNZ,), f32), col_idx,
                               num_segments=PTS_PAD)
    csum = jax.ops.segment_sum(values, col_idx, num_segments=PTS_PAD)
    cmean = csum / jnp.maximum(ccnt, 1.0)[:, None]

    row_sums, row_cntb = pl.pallas_call(
        _rows_body,
        grid=(NNZ_BLOCKS,),
        in_specs=[
            pl.BlockSpec((512, D), lambda i: (i, 0)),
            pl.BlockSpec((1, 1, 512), lambda i: (i, 0, 0)),
        ],
        out_specs=[
            pl.BlockSpec((CAMS_PAD, D), lambda i: (0, 0)),
            pl.BlockSpec((CAMS_PAD, D), lambda i: (0, 0)),
        ],
        out_shape=[
            jax.ShapeDtypeStruct((CAMS_PAD, D), f32),
            jax.ShapeDtypeStruct((CAMS_PAD, D), f32),
        ],
    )(values, rid3)

    bsum = (b_all + b_n + b_both).reshape(1, D)
    bm = b_m.reshape(1, D)

    a_tbl, b_tbl = pl.pallas_call(
        _tables_body,
        grid=(98,),
        in_specs=[
            pl.BlockSpec((512, D), lambda i: (i, 0)),
            pl.BlockSpec((CAMS_PAD, D), lambda i: (0, 0)),
            pl.BlockSpec((CAMS_PAD, D), lambda i: (0, 0)),
            pl.BlockSpec((D, D), lambda i: (0, 0)),
            pl.BlockSpec((D, D), lambda i: (0, 0)),
            pl.BlockSpec((D, D), lambda i: (0, 0)),
            pl.BlockSpec((1, D), lambda i: (0, 0)),
            pl.BlockSpec((1, D), lambda i: (0, 0)),
        ],
        out_specs=[
            pl.BlockSpec((512, D), lambda i: (i, 0)),
            pl.BlockSpec((CAMS_PAD, D), lambda i: (0, 0)),
        ],
        out_shape=[
            jax.ShapeDtypeStruct((PTS_PAD, D), f32),
            jax.ShapeDtypeStruct((CAMS_PAD, D), f32),
        ],
    )(cmean, row_sums, row_cntb, W_n, W_m, W_both, bsum, bm)

    gath = _gather_a(a_tbl, cidx2)

    out = pl.pallas_call(
        _final_body,
        grid=(NNZ_BLOCKS,),
        in_specs=[
            pl.BlockSpec((512, D), lambda i: (i, 0)),
            pl.BlockSpec((512, D), lambda i: (i, 0)),
            pl.BlockSpec((1, 1, 512), lambda i: (i, 0, 0)),
            pl.BlockSpec((D, D), lambda i: (0, 0)),
            pl.BlockSpec((CAMS_PAD, D), lambda i: (0, 0)),
        ],
        out_specs=pl.BlockSpec((512, D), lambda i: (i, 0)),
        out_shape=jax.ShapeDtypeStruct((NNZ, D), f32),
    )(values, gath, rid3, W_all, b_tbl)

    return out

# --- scband reference (transcript-rebuilt; emitter-appended) ---
"""Pipeline reference for scband-set-of-set-layer-111669149722 (READ-ONLY COPY).

The authoritative reference and input builder live on the scoring server;
editing this copy changes nothing except your own understanding.
"""

import jax, jax.numpy as jnp
import numpy as np

N_CAMS = 500
N_PTS = 50000
NNZ = 500000
D_IN = 128
D_OUT = 128


def setup_inputs(seed: int = 0) -> dict:
    key = jax.random.key(seed)
    ks = jax.random.split(key, 12)
    values = jax.random.normal(ks[0], (NNZ, D_IN), dtype=jnp.float32)
    row_idx = jax.random.randint(ks[1], (NNZ,), 0, N_CAMS, dtype=jnp.int64 if jax.config.jax_enable_x64 else jnp.int32)
    col_idx = jax.random.randint(ks[2], (NNZ,), 0, N_PTS, dtype=jnp.int64 if jax.config.jax_enable_x64 else jnp.int32)
    s = 1.0 / np.sqrt(D_IN)
    W_all = jax.random.uniform(ks[3], (D_IN, D_OUT), jnp.float32, -s, s)
    b_all = jax.random.uniform(ks[4], (D_OUT,), jnp.float32, -s, s)
    W_n = jax.random.uniform(ks[5], (D_IN, D_OUT), jnp.float32, -s, s)
    b_n = jax.random.uniform(ks[6], (D_OUT,), jnp.float32, -s, s)
    W_m = jax.random.uniform(ks[7], (D_IN, D_OUT), jnp.float32, -s, s)
    b_m = jax.random.uniform(ks[8], (D_OUT,), jnp.float32, -s, s)
    W_both = jax.random.uniform(ks[9], (D_IN, D_OUT), jnp.float32, -s, s)
    b_both = jax.random.uniform(ks[10], (D_OUT,), jnp.float32, -s, s)
    return {"values": values, "row_idx": row_idx, "col_idx": col_idx,
            "W_all": W_all, "b_all": b_all, "W_n": W_n, "b_n": b_n,
            "W_m": W_m, "b_m": b_m, "W_both": W_both, "b_both": b_both}


def reference(values, row_idx, col_idx, W_all, b_all, W_n, b_n, W_m, b_m, W_both, b_both):
    # SparseMat semantics: values[nnz, d], indices[0]=row (camera), indices[1]=col (point)
    # out_all = lin_all(x.values)
    out_all = values @ W_all + b_all
    # x.mean(dim=0): mean over rows (cameras) for each column (point) -> [m, d]
    ones = jnp.ones((NNZ,), dtype=values.dtype)
    cam_per_pts = jnp.maximum(jax.ops.segment_sum(ones, col_idx, num_segments=N_PTS), 1.0)
    mean_rows = jax.ops.segment_sum(values, col_idx, num_segments=N_PTS) / cam_per_pts[:, None]
    out_rows = mean_rows @ W_n + b_n
    # x.mean(dim=1): mean over columns (points) for each row (camera) -> [n, d]
    pts_per_cam = jnp.maximum(jax.ops.segment_sum(ones, row_idx, num_segments=N_CAMS), 1.0)
    mean_cols = jax.ops.segment_sum(values, row_idx, num_segments=N_CAMS) / pts_per_cam[:, None]
    out_cols = mean_cols @ W_m + b_m
    # global mean over all nonzero entries
    out_both = jnp.mean(values, axis=0, keepdims=True) @ W_both + b_both
    new_features = (out_all + out_rows[col_idx, :] + out_cols[row_idx, :] + out_both) / 4.0
    return new_features

if __name__ == "__main__":
    import jax
    _d = setup_inputs()
    print(jax.jit(kernel)(*tuple(_d.values())))

</pallas_src>

<mosaic_0001>
#map = affine_map<(d0, d1) -> (0, 0)>
module attributes {stable_mosaic.version = 14 : i64} {
  func.func @_gather_a(%arg0: i32, %arg1: i32, %arg2: memref<50048x128xf32, #tpu.memory_space<hbm>>, %arg3: memref<3968x128xi32, #tpu.memory_space<hbm>>, %arg4: memref<507904x128xf32, #tpu.memory_space<hbm>>, %arg5: memref<256x128xf32, #tpu.memory_space<vmem>>, %arg6: memref<256x128xf32, #tpu.memory_space<vmem>>, %arg7: memref<2x128xi32, #tpu.memory_space<vmem>>, %arg8: memref<2x128xi32, #tpu.memory_space<vmem>>, %arg9: memref<!tpu.dma_semaphore, #tpu.memory_space<semaphore_mem>>, %arg10: memref<!tpu.dma_semaphore, #tpu.memory_space<semaphore_mem>>) attributes {dimension_semantics = [#tpu.dimension_semantics<core_parallel>, #tpu.dimension_semantics<subcore_parallel>], iteration_bounds = array<i64: 2, 16>, scalar_prefetch = 0 : i64, scratch_operands = 6 : i64, tpu.core_type = #tpu.core_type<sc_vector_subcore>, window_params = [{transform_indices = #map}, {transform_indices = #map}, {transform_indices = #map}]} {
    %mul3A = arith.constant 2 : i32
    %mul3A_0 = arith.muli %arg1, %mul3A : i32
    %add3A = arith.addi %mul3A_0, %arg0 : i32
    %mul3A_1 = arith.constant 124 : i32
    %mul3A_2 = arith.muli %add3A, %mul3A_1 : i32
    %add3A_3 = arith.constant 0 : i32
    %add3A_4 = arith.addi %mul3A_2, %add3A_3 : i32
    "tpu.region"() ({
      %run_scoped3A = tpu.sem_alloc : memref<!tpu.dma_semaphore, #tpu.memory_space<semaphore_mem>>
      %dma_start3A_30 = arith.constant 0 : i32
      %dma_start3A_31 = tpu.memref_slice %arg3[%add3A_4, %dma_start3A_30] : memref<3968x128xi32, #tpu.memory_space<hbm>> -> memref<2x128xi32, #tpu.memory_space<hbm>>
      %dma_start3A_32 = arith.constant 0 : i32
      %dma_start3A_33 = tpu.memref_slice %arg3[%add3A_4, %dma_start3A_32] : memref<3968x128xi32, #tpu.memory_space<hbm>> -> memref<2x128xi32, #tpu.memory_space<hbm>>
      tpu.enqueue_dma source(%dma_start3A_33 : memref<2x128xi32, #tpu.memory_space<hbm>>) target(%arg7 : memref<2x128xi32, #tpu.memory_space<vmem>>) target_semaphore(%run_scoped3A : memref<!tpu.dma_semaphore, #tpu.memory_space<semaphore_mem>>)
      %dma_wait3A = arith.constant 0 : i32
      %dma_wait3A_34 = tpu.memref_slice %arg3[%add3A_4, %dma_wait3A] : memref<3968x128xi32, #tpu.memory_space<hbm>> -> memref<2x128xi32, #tpu.memory_space<hbm>>
      %dma_wait3A_35 = arith.constant 0 : i32
      %dma_wait3A_36 = tpu.memref_slice %arg3[%add3A_4, %dma_wait3A_35] : memref<3968x128xi32, #tpu.memory_space<hbm>> -> memref<2x128xi32, #tpu.memory_space<hbm>>
      tpu.wait_dma2 semaphore(%run_scoped3A : memref<!tpu.dma_semaphore, #tpu.memory_space<semaphore_mem>>) src(%dma_wait3A_36 : memref<2x128xi32, #tpu.memory_space<hbm>>) dst(%arg7 : memref<2x128xi32, #tpu.memory_space<vmem>>)
      tpu.yield
    }) : () -> ()
    %dma_start3A = arith.constant 0 : i32
    %dma_start3A_5 = arith.constant 0 : i32
    %dma_start3A_6 = arith.constant 0 : i32
    %dma_start3A_7 = tpu.memref_slice %arg5[%dma_start3A_5, %dma_start3A_6] : memref<256x128xf32, #tpu.memory_space<vmem>> -> memref<128x128xf32, #tpu.memory_space<vmem>>
    %dma_start3A_8 = arith.constant 0 : i32
    %dma_start3A_9 = tpu.memref_slice %arg7[%dma_start3A, %dma_start3A_8] : memref<2x128xi32, #tpu.memory_space<vmem>> -> memref<1x128xi32, #tpu.memory_space<vmem>>
    %dma_start3A_10 = tpu.memref_squeeze %dma_start3A_9 : memref<1x128xi32, #tpu.memory_space<vmem>> -> memref<128xi32, #tpu.memory_space<vmem>>
    %dma_start3A_11 = arith.constant 0 : i32
    %dma_start3A_12 = arith.constant 0 : i32
    %dma_start3A_13 = tpu.memref_slice %arg2[%dma_start3A_11, %dma_start3A_12] : memref<50048x128xf32, #tpu.memory_space<hbm>> -> memref<50048x128xf32, #tpu.memory_space<hbm>>
    tpu.enqueue_indirect_dma source(%dma_start3A_13 : memref<50048x128xf32, #tpu.memory_space<hbm>>) target(%dma_start3A_7 : memref<128x128xf32, #tpu.memory_space<vmem>>) offsets(%dma_start3A_10 : memref<128xi32, #tpu.memory_space<vmem>>) semaphore(%arg9 : memref<!tpu.dma_semaphore, #tpu.memory_space<semaphore_mem>>)
    %dma_start3A_14 = arith.constant 1 : i32
    %dma_start3A_15 = arith.constant 128 : i32
    %dma_start3A_16 = arith.constant 0 : i32
    %dma_start3A_17 = tpu.memref_slice %arg5[%dma_start3A_15, %dma_start3A_16] : memref<256x128xf32, #tpu.memory_space<vmem>> -> memref<128x128xf32, #tpu.memory_space<vmem>>
    %dma_start3A_18 = arith.constant 0 : i32
    %dma_start3A_19 = tpu.memref_slice %arg7[%dma_start3A_14, %dma_start3A_18] : memref<2x128xi32, #tpu.memory_space<vmem>> -> memref<1x128xi32, #tpu.memory_space<vmem>>
    %dma_start3A_20 = tpu.memref_squeeze %dma_start3A_19 : memref<1x128xi32, #tpu.memory_space<vmem>> -> memref<128xi32, #tpu.memory_space<vmem>>
    %dma_start3A_21 = arith.constant 0 : i32
    %dma_start3A_22 = arith.constant 0 : i32
    %dma_start3A_23 = tpu.memref_slice %arg2[%dma_start3A_21, %dma_start3A_22] : memref<50048x128xf32, #tpu.memory_space<hbm>> -> memref<50048x128xf32, #tpu.memory_space<hbm>>
    tpu.enqueue_indirect_dma source(%dma_start3A_23 : memref<50048x128xf32, #tpu.memory_space<hbm>>) target(%dma_start3A_17 : memref<128x128xf32, #tpu.memory_space<vmem>>) offsets(%dma_start3A_20 : memref<128xi32, #tpu.memory_space<vmem>>) semaphore(%arg9 : memref<!tpu.dma_semaphore, #tpu.memory_space<semaphore_mem>>)
    %scan3A = arith.constant 0 : i32
    %scan3A_24 = arith.constant 0 : i32
    %scan3A_25 = arith.constant 31 : i32
    %scan3A_26 = arith.addi %scan3A_24, %scan3A_25 : i32
    %scan3A_27 = arith.constant 1 : i32
    %scan3A_28 = scf.for %scan3A_30 = %scan3A_24 to %scan3A_26 step %scan3A_27 iter_args(%scan3A_31 = %scan3A) -> (i32)  : i32 {
      %mul3A_32 = arith.constant 2 : i32
      %mul3A_33 = arith.muli %mul3A_32, %scan3A_30 : i32
      %mul3A_34 = arith.constant 2 : i32
      %mul3A_35 = arith.muli %mul3A_34, %scan3A_30 : i32
      %add3A_36 = arith.constant 1 : i32
      %add3A_37 = arith.addi %mul3A_35, %add3A_36 : i32
      %mul3A_38 = arith.constant 2 : i32
      %mul3A_39 = arith.muli %add3A_37, %mul3A_38 : i32
      %add3A_40 = arith.addi %mul3A_2, %mul3A_39 : i32
      "tpu.region"() ({
        %run_scoped3A = tpu.sem_alloc : memref<!tpu.dma_semaphore, #tpu.memory_space<semaphore_mem>>
        %dma_start3A_113 = arith.constant 0 : i32
        %dma_start3A_114 = tpu.memref_slice %arg3[%add3A_40, %dma_start3A_113] : memref<3968x128xi32, #tpu.memory_space<hbm>> -> memref<2x128xi32, #tpu.memory_space<hbm>>
        %dma_start3A_115 = arith.constant 0 : i32
        %dma_start3A_116 = tpu.memref_slice %arg3[%add3A_40, %dma_start3A_115] : memref<3968x128xi32, #tpu.memory_space<hbm>> -> memref<2x128xi32, #tpu.memory_space<hbm>>
        tpu.enqueue_dma source(%dma_start3A_116 : memref<2x128xi32, #tpu.memory_space<hbm>>) target(%arg8 : memref<2x128xi32, #tpu.memory_space<vmem>>) target_semaphore(%run_scoped3A : memref<!tpu.dma_semaphore, #tpu.memory_space<semaphore_mem>>)
        %dma_wait3A_117 = arith.constant 0 : i32
        %dma_wait3A_118 = tpu.memref_slice %arg3[%add3A_40, %dma_wait3A_117] : memref<3968x128xi32, #tpu.memory_space<hbm>> -> memref<2x128xi32, #tpu.memory_space<hbm>>
        %dma_wait3A_119 = arith.constant 0 : i32
        %dma_wait3A_120 = tpu.memref_slice %arg3[%add3A_40, %dma_wait3A_119] : memref<3968x128xi32, #tpu.memory_space<hbm>> -> memref<2x128xi32, #tpu.memory_space<hbm>>
        tpu.wait_dma2 semaphore(%run_scoped3A : memref<!tpu.dma_semaphore, #tpu.memory_space<semaphore_mem>>) src(%dma_wait3A_120 : memref<2x128xi32, #tpu.memory_space<hbm>>) dst(%arg8 : memref<2x128xi32, #tpu.memory_space<vmem>>)
        tpu.yield
      }) : () -> ()
      %dma_start3A_41 = arith.constant 0 : i32
      %dma_start3A_42 = arith.constant 0 : i32
      %dma_start3A_43 = arith.constant 0 : i32
      %dma_start3A_44 = tpu.memref_slice %arg6[%dma_start3A_42, %dma_start3A_43] : memref<256x128xf32, #tpu.memory_space<vmem>> -> memref<128x128xf32, #tpu.memory_space<vmem>>
      %dma_start3A_45 = arith.constant 0 : i32
      %dma_start3A_46 = tpu.memref_slice %arg8[%dma_start3A_41, %dma_start3A_45] : memref<2x128xi32, #tpu.memory_space<vmem>> -> memref<1x128xi32, #tpu.memory_space<vmem>>
      %dma_start3A_47 = tpu.memref_squeeze %dma_start3A_46 : memref<1x128xi32, #tpu.memory_space<vmem>> -> memref<128xi32, #tpu.memory_space<vmem>>
      %dma_start3A_48 = arith.constant 0 : i32
      %dma_start3A_49 = arith.constant 0 : i32
      %dma_start3A_50 = tpu.memref_slice %arg2[%dma_start3A_48, %dma_start3A_49] : memref<50048x128xf32, #tpu.memory_space<hbm>> -> memref<50048x128xf32, #tpu.memory_space<hbm>>
      tpu.enqueue_indirect_dma source(%dma_start3A_50 : memref<50048x128xf32, #tpu.memory_space<hbm>>) target(%dma_start3A_44 : memref<128x128xf32, #tpu.memory_space<vmem>>) offsets(%dma_start3A_47 : memref<128xi32, #tpu.memory_space<vmem>>) semaphore(%arg10 : memref<!tpu.dma_semaphore, #tpu.memory_space<semaphore_mem>>)
      %dma_start3A_51 = arith.constant 1 : i32
      %dma_start3A_52 = arith.constant 128 : i32
      %dma_start3A_53 = arith.constant 0 : i32
      %dma_start3A_54 = tpu.memref_slice %arg6[%dma_start3A_52, %dma_start3A_53] : memref<256x128xf32, #tpu.memory_space<vmem>> -> memref<128x128xf32, #tpu.memory_space<vmem>>
      %dma_start3A_55 = arith.constant 0 : i32
      %dma_start3A_56 = tpu.memref_slice %arg8[%dma_start3A_51, %dma_start3A_55] : memref<2x128xi32, #tpu.memory_space<vmem>> -> memref<1x128xi32, #tpu.memory_space<vmem>>
      %dma_start3A_57 = tpu.memref_squeeze %dma_start3A_56 : memref<1x128xi32, #tpu.memory_space<vmem>> -> memref<128xi32, #tpu.memory_space<vmem>>
      %dma_start3A_58 = arith.constant 0 : i32
      %dma_start3A_59 = arith.constant 0 : i32
      %dma_start3A_60 = tpu.memref_slice %arg2[%dma_start3A_58, %dma_start3A_59] : memref<50048x128xf32, #tpu.memory_space<hbm>> -> memref<50048x128xf32, #tpu.memory_space<hbm>>
      tpu.enqueue_indirect_dma source(%dma_start3A_60 : memref<50048x128xf32, #tpu.memory_space<hbm>>) target(%dma_start3A_54 : memref<128x128xf32, #tpu.memory_space<vmem>>) offsets(%dma_start3A_57 : memref<128xi32, #tpu.memory_space<vmem>>) semaphore(%arg10 : memref<!tpu.dma_semaphore, #tpu.memory_space<semaphore_mem>>)
      %dma_wait3A = arith.constant 0 : i32
      %dma_wait3A_61 = arith.constant 0 : i32
      %dma_wait3A_62 = arith.constant 0 : i32
      %dma_wait3A_63 = tpu.memref_slice %arg5[%dma_wait3A_61, %dma_wait3A_62] : memref<256x128xf32, #tpu.memory_space<vmem>> -> memref<128x128xf32, #tpu.memory_space<vmem>>
      %dma_wait3A_64 = arith.constant 0 : i32
      %dma_wait3A_65 = tpu.memref_slice %arg7[%dma_wait3A, %dma_wait3A_64] : memref<2x128xi32, #tpu.memory_space<vmem>> -> memref<1x128xi32, #tpu.memory_space<vmem>>
      %dma_wait3A_66 = tpu.memref_squeeze %dma_wait3A_65 : memref<1x128xi32, #tpu.memory_space<vmem>> -> memref<128xi32, #tpu.memory_space<vmem>>
      %dma_wait3A_67 = arith.constant 0 : i32
      %dma_wait3A_68 = arith.constant 0 : i32
      %dma_wait3A_69 = tpu.memref_slice %arg2[%dma_wait3A_67, %dma_wait3A_68] : memref<50048x128xf32, #tpu.memory_space<hbm>> -> memref<50048x128xf32, #tpu.memory_space<hbm>>
      tpu.wait_indirect_dma semaphore(%arg9 : memref<!tpu.dma_semaphore, #tpu.memory_space<semaphore_mem>>) src(%dma_wait3A_69 : memref<50048x128xf32, #tpu.memory_space<hbm>>) dst(%dma_wait3A_63 : memref<128x128xf32, #tpu.memory_space<vmem>>)
      %dma_wait3A_70 = arith.constant 1 : i32
      %dma_wait3A_71 = arith.constant 128 : i32
      %dma_wait3A_72 = arith.constant 0 : i32
      %dma_wait3A_73 = tpu.memref_slice %arg5[%dma_wait3A_71, %dma_wait3A_72] : memref<256x128xf32, #tpu.memory_space<vmem>> -> memref<128x128xf32, #tpu.memory_space<vmem>>
      %dma_wait3A_74 = arith.constant 0 : i32
      %dma_wait3A_75 = tpu.memref_slice %arg7[%dma_wait3A_70, %dma_wait3A_74] : memref<2x128xi32, #tpu.memory_space<vmem>> -> memref<1x128xi32, #tpu.memory_space<vmem>>
      %dma_wait3A_76 = tpu.memref_squeeze %dma_wait3A_75 : memref<1x128xi32, #tpu.memory_space<vmem>> -> memref<128xi32, #tpu.memory_space<vmem>>
      %dma_wait3A_77 = arith.constant 0 : i32
      %dma_wait3A_78 = arith.constant 0 : i32
      %dma_wait3A_79 = tpu.memref_slice %arg2[%dma_wait3A_77, %dma_wait3A_78] : memref<50048x128xf32, #tpu.memory_space<hbm>> -> memref<50048x128xf32, #tpu.memory_space<hbm>>
      tpu.wait_indirect_dma semaphore(%arg9 : memref<!tpu.dma_semaphore, #tpu.memory_space<semaphore_mem>>) src(%dma_wait3A_79 : memref<50048x128xf32, #tpu.memory_space<hbm>>) dst(%dma_wait3A_73 : memref<128x128xf32, #tpu.memory_space<vmem>>)
      %mul3A_80 = arith.constant 2 : i32
      %mul3A_81 = arith.muli %mul3A_33, %mul3A_80 : i32
      %add3A_82 = arith.addi %mul3A_2, %mul3A_81 : i32
      %mul3A_83 = arith.constant 128 : i32
      %mul3A_84 = arith.muli %add3A_82, %mul3A_83 : i32
      "tpu.region"() ({
        %run_scoped3A = tpu.sem_alloc : memref<!tpu.dma_semaphore, #tpu.memory_space<semaphore_mem>>
        %dma_start3A_113 = arith.constant 0 : i32
        %dma_start3A_114 = tpu.memref_slice %arg4[%mul3A_84, %dma_start3A_113] : memref<507904x128xf32, #tpu.memory_space<hbm>> -> memref<256x128xf32, #tpu.memory_space<hbm>>
        %dma_start3A_115 = arith.constant 0 : i32
        %dma_start3A_116 = tpu.memref_slice %arg4[%mul3A_84, %dma_start3A_115] : memref<507904x128xf32, #tpu.memory_space<hbm>> -> memref<256x128xf32, #tpu.memory_space<hbm>>
        tpu.enqueue_dma source(%arg5 : memref<256x128xf32, #tpu.memory_space<vmem>>) target(%dma_start3A_116 : memref<256x128xf32, #tpu.memory_space<hbm>>) target_semaphore(%run_scoped3A : memref<!tpu.dma_semaphore, #tpu.memory_space<semaphore_mem>>)
        %dma_wait3A_117 = arith.constant 0 : i32
        %dma_wait3A_118 = tpu.memref_slice %arg4[%mul3A_84, %dma_wait3A_117] : memref<507904x128xf32, #tpu.memory_space<hbm>> -> memref<256x128xf32, #tpu.memory_space<hbm>>
        %dma_wait3A_119 = arith.constant 0 : i32
        %dma_wait3A_120 = tpu.memref_slice %arg4[%mul3A_84, %dma_wait3A_119] : memref<507904x128xf32, #tpu.memory_space<hbm>> -> memref<256x128xf32, #tpu.memory_space<hbm>>
        tpu.wait_dma2 semaphore(%run_scoped3A : memref<!tpu.dma_semaphore, #tpu.memory_space<semaphore_mem>>) src(%arg5 : memref<256x128xf32, #tpu.memory_space<vmem>>) dst(%dma_wait3A_120 : memref<256x128xf32, #tpu.memory_space<hbm>>)
        tpu.yield
      }) : () -> ()
      %lt3A = arith.constant 30 : i32
      %lt3A_85 = arith.cmpi slt, %scan3A_30, %lt3A : i32
      %convert_element_type3A = arith.extui %lt3A_85 : i1 to i32
      %cond3A = arith.constant 0 : i32
      %cond3A_86 = arith.cmpi ne, %convert_element_type3A, %cond3A : i32
      scf.if %cond3A_86 {
        %add3A_113 = arith.constant 2 : i32
        %add3A_114 = arith.addi %mul3A_33, %add3A_113 : i32
        %mul3A_115 = arith.constant 2 : i32
        %mul3A_116 = arith.muli %add3A_114, %mul3A_115 : i32
        %add3A_117 = arith.addi %mul3A_2, %mul3A_116 : i32
        "tpu.region"() ({
          %run_scoped3A = tpu.sem_alloc : memref<!tpu.dma_semaphore, #tpu.memory_space<semaphore_mem>>
          %dma_start3A_138 = arith.constant 0 : i32
          %dma_start3A_139 = tpu.memref_slice %arg3[%add3A_117, %dma_start3A_138] : memref<3968x128xi32, #tpu.memory_space<hbm>> -> memref<2x128xi32, #tpu.memory_space<hbm>>
          %dma_start3A_140 = arith.constant 0 : i32
          %dma_start3A_141 = tpu.memref_slice %arg3[%add3A_117, %dma_start3A_140] : memref<3968x128xi32, #tpu.memory_space<hbm>> -> memref<2x128xi32, #tpu.memory_space<hbm>>
          tpu.enqueue_dma source(%dma_start3A_141 : memref<2x128xi32, #tpu.memory_space<hbm>>) target(%arg7 : memref<2x128xi32, #tpu.memory_space<vmem>>) target_semaphore(%run_scoped3A : memref<!tpu.dma_semaphore, #tpu.memory_space<semaphore_mem>>)
          %dma_wait3A_142 = arith.constant 0 : i32
          %dma_wait3A_143 = tpu.memref_slice %arg3[%add3A_117, %dma_wait3A_142] : memref<3968x128xi32, #tpu.memory_space<hbm>> -> memref<2x128xi32, #tpu.memory_space<hbm>>
          %dma_wait3A_144 = arith.constant 0 : i32
          %dma_wait3A_145 = tpu.memref_slice %arg3[%add3A_117, %dma_wait3A_144] : memref<3968x128xi32, #tpu.memory_space<hbm>> -> memref<2x128xi32, #tpu.memory_space<hbm>>
          tpu.wait_dma2 semaphore(%run_scoped3A : memref<!tpu.dma_semaphore, #tpu.memory_space<semaphore_mem>>) src(%dma_wait3A_145 : memref<2x128xi32, #tpu.memory_space<hbm>>) dst(%arg7 : memref<2x128xi32, #tpu.memory_space<vmem>>)
          tpu.yield
        }) : () -> ()
        %dma_start3A_118 = arith.constant 0 : i32
        %dma_start3A_119 = arith.constant 0 : i32
        %dma_start3A_120 = arith.constant 0 : i32
        %dma_start3A_121 = tpu.memref_slice %arg5[%dma_start3A_119, %dma_start3A_120] : memref<256x128xf32, #tpu.memory_space<vmem>> -> memref<128x128xf32, #tpu.memory_space<vmem>>
        %dma_start3A_122 = arith.constant 0 : i32
        %dma_start3A_123 = tpu.memref_slice %arg7[%dma_start3A_118, %dma_start3A_122] : memref<2x128xi32, #tpu.memory_space<vmem>> -> memref<1x128xi32, #tpu.memory_space<vmem>>
        %dma_start3A_124 = tpu.memref_squeeze %dma_start3A_123 : memref<1x128xi32, #tpu.memory_space<vmem>> -> memref<128xi32, #tpu.memory_space<vmem>>
        %dma_start3A_125 = arith.constant 0 : i32
        %dma_start3A_126 = arith.constant 0 : i32
        %dma_start3A_127 = tpu.memref_slice %arg2[%dma_start3A_125, %dma_start3A_126] : memref<50048x128xf32, #tpu.memory_space<hbm>> -> memref<50048x128xf32, #tpu.memory_space<hbm>>
        tpu.enqueue_indirect_dma source(%dma_start3A_127 : memref<50048x128xf32, #tpu.memory_space<hbm>>) target(%dma_start3A_121 : memref<128x128xf32, #tpu.memory_space<vmem>>) offsets(%dma_start3A_124 : memref<128xi32, #tpu.memory_space<vmem>>) semaphore(%arg9 : memref<!tpu.dma_semaphore, #tpu.memory_space<semaphore_mem>>)
        %dma_start3A_128 = arith.constant 1 : i32
        %dma_start3A_129 = arith.constant 128 : i32
        %dma_start3A_130 = arith.constant 0 : i32
        %dma_start3A_131 = tpu.memref_slice %arg5[%dma_start3A_129, %dma_start3A_130] : memref<256x128xf32, #tpu.memory_space<vmem>> -> memref<128x128xf32, #tpu.memory_space<vmem>>
        %dma_start3A_132 = arith.constant 0 : i32
        %dma_start3A_133 = tpu.memref_slice %arg7[%dma_start3A_128, %dma_start3A_132] : memref<2x128xi32, #tpu.memory_space<vmem>> -> memref<1x128xi32, #tpu.memory_space<vmem>>
        %dma_start3A_134 = tpu.memref_squeeze %dma_start3A_133 : memref<1x128xi32, #tpu.memory_space<vmem>> -> memref<128xi32, #tpu.memory_space<vmem>>
        %dma_start3A_135 = arith.constant 0 : i32
        %dma_start3A_136 = arith.constant 0 : i32
        %dma_start3A_137 = tpu.memref_slice %arg2[%dma_start3A_135, %dma_start3A_136] : memref<50048x128xf32, #tpu.memory_space<hbm>> -> memref<50048x128xf32, #tpu.memory_space<hbm>>
        tpu.enqueue_indirect_dma source(%dma_start3A_137 : memref<50048x128xf32, #tpu.memory_space<hbm>>) target(%dma_start3A_131 : memref<128x128xf32, #tpu.memory_space<vmem>>) offsets(%dma_start3A_134 : memref<128xi32, #tpu.memory_space<vmem>>) semaphore(%arg9 : memref<!tpu.dma_semaphore, #tpu.memory_space<semaphore_mem>>)
      } else {
      }
      %dma_wait3A_87 = arith.constant 0 : i32
      %dma_wait3A_88 = arith.constant 0 : i32
      %dma_wait3A_89 = arith.constant 0 : i32
      %dma_wait3A_90 = tpu.memref_slice %arg6[%dma_wait3A_88, %dma_wait3A_89] : memref<256x128xf32, #tpu.memory_space<vmem>> -> memref<128x128xf32, #tpu.memory_space<vmem>>
      %dma_wait3A_91 = arith.constant 0 : i32
      %dma_wait3A_92 = tpu.memref_slice %arg8[%dma_wait3A_87, %dma_wait3A_91] : memref<2x128xi32, #tpu.memory_space<vmem>> -> memref<1x128xi32, #tpu.memory_space<vmem>>
      %dma_wait3A_93 = tpu.memref_squeeze %dma_wait3A_92 : memref<1x128xi32, #tpu.memory_space<vmem>> -> memref<128xi32, #tpu.memory_space<vmem>>
      %dma_wait3A_94 = arith.constant 0 : i32
      %dma_wait3A_95 = arith.constant 0 : i32
      %dma_wait3A_96 = tpu.memref_slice %arg2[%dma_wait3A_94, %dma_wait3A_95] : memref<50048x128xf32, #tpu.memory_space<hbm>> -> memref<50048x128xf32, #tpu.memory_space<hbm>>
      tpu.wait_indirect_dma semaphore(%arg10 : memref<!tpu.dma_semaphore, #tpu.memory_space<semaphore_mem>>) src(%dma_wait3A_96 : memref<50048x128xf32, #tpu.memory_space<hbm>>) dst(%dma_wait3A_90 : memref<128x128xf32, #tpu.memory_space<vmem>>)
      %dma_wait3A_97 = arith.constant 1 : i32
      %dma_wait3A_98 = arith.constant 128 : i32
      %dma_wait3A_99 = arith.constant 0 : i32
      %dma_wait3A_100 = tpu.memref_slice %arg6[%dma_wait3A_98, %dma_wait3A_99] : memref<256x128xf32, #tpu.memory_space<vmem>> -> memref<128x128xf32, #tpu.memory_space<vmem>>
      %dma_wait3A_101 = arith.constant 0 : i32
      %dma_wait3A_102 = tpu.memref_slice %arg8[%dma_wait3A_97, %dma_wait3A_101] : memref<2x128xi32, #tpu.memory_space<vmem>> -> memref<1x128xi32, #tpu.memory_space<vmem>>
      %dma_wait3A_103 = tpu.memref_squeeze %dma_wait3A_102 : memref<1x128xi32, #tpu.memory_space<vmem>> -> memref<128xi32, #tpu.memory_space<vmem>>
      %dma_wait3A_104 = arith.constant 0 : i32
      %dma_wait3A_105 = arith.constant 0 : i32
      %dma_wait3A_106 = tpu.memref_slice %arg2[%dma_wait3A_104, %dma_wait3A_105] : memref<50048x128xf32, #tpu.memory_space<hbm>> -> memref<50048x128xf32, #tpu.memory_space<hbm>>
      tpu.wait_indirect_dma semaphore(%arg10 : memref<!tpu.dma_semaphore, #tpu.memory_space<semaphore_mem>>) src(%dma_wait3A_106 : memref<50048x128xf32, #tpu.memory_space<hbm>>) dst(%dma_wait3A_100 : memref<128x128xf32, #tpu.memory_space<vmem>>)
      %mul3A_107 = arith.constant 2 : i32
      %mul3A_108 = arith.muli %add3A_37, %mul3A_107 : i32
      %add3A_109 = arith.addi %mul3A_2, %mul3A_108 : i32
      %mul3A_110 = arith.constant 128 : i32
      %mul3A_111 = arith.muli %add3A_109, %mul3A_110 : i32
      "tpu.region"() ({
        %run_scoped3A = tpu.sem_alloc : memref<!tpu.dma_semaphore, #tpu.memory_space<semaphore_mem>>
        %dma_start3A_113 = arith.constant 0 : i32
        %dma_start3A_114 = tpu.memref_slice %arg4[%mul3A_111, %dma_start3A_113] : memref<507904x128xf32, #tpu.memory_space<hbm>> -> memref<256x128xf32, #tpu.memory_space<hbm>>
        %dma_start3A_115 = arith.constant 0 : i32
        %dma_start3A_116 = tpu.memref_slice %arg4[%mul3A_111, %dma_start3A_115] : memref<507904x128xf32, #tpu.memory_space<hbm>> -> memref<256x128xf32, #tpu.memory_space<hbm>>
        tpu.enqueue_dma source(%arg6 : memref<256x128xf32, #tpu.memory_space<vmem>>) target(%dma_start3A_116 : memref<256x128xf32, #tpu.memory_space<hbm>>) target_semaphore(%run_scoped3A : memref<!tpu.dma_semaphore, #tpu.memory_space<semaphore_mem>>)
        %dma_wait3A_117 = arith.constant 0 : i32
        %dma_wait3A_118 = tpu.memref_slice %arg4[%mul3A_111, %dma_wait3A_117] : memref<507904x128xf32, #tpu.memory_space<hbm>> -> memref<256x128xf32, #tpu.memory_space<hbm>>
        %dma_wait3A_119 = arith.constant 0 : i32
        %dma_wait3A_120 = tpu.memref_slice %arg4[%mul3A_111, %dma_wait3A_119] : memref<507904x128xf32, #tpu.memory_space<hbm>> -> memref<256x128xf32, #tpu.memory_space<hbm>>
        tpu.wait_dma2 semaphore(%run_scoped3A : memref<!tpu.dma_semaphore, #tpu.memory_space<semaphore_mem>>) src(%arg6 : memref<256x128xf32, #tpu.memory_space<vmem>>) dst(%dma_wait3A_120 : memref<256x128xf32, #tpu.memory_space<hbm>>)
        tpu.yield
      }) : () -> ()
      %scan3A_112 = arith.constant 0 : i32
      scf.yield %scan3A_112 : i32
    }
    %scan3A_29 = arith.constant 31 : i32
    return
  }
}

module attributes {stable_mosaic.version = 14 : i64} {
  func.func @_rows_body(%arg0: i32, %arg1: memref<512x128xf32, #tpu.memory_space<vmem>>, %arg2: memref<1x1x512xi32, #tpu.memory_space<vmem>>, %arg3: memref<512x128xf32, #tpu.memory_space<vmem>>, %arg4: memref<512x128xf32, #tpu.memory_space<vmem>>) attributes {dimension_semantics = [#tpu.dimension_semantics<arbitrary>], iteration_bounds = array<i64: 977>, scalar_prefetch = 0 : i64, scratch_operands = 0 : i64, tpu.core_type = #tpu.core_type<tc>, window_params = [{transform_indices = @transform_0, window_bounds = array<i64: 512, 128>}, {transform_indices = @transform_1, window_bounds = array<i64: 1, 1, 512>}, {pipeline_mode = #tpu.pipeline_mode<synchronous>, transform_indices = @transform_2, window_bounds = array<i64: 512, 128>}, {pipeline_mode = #tpu.pipeline_mode<synchronous>, transform_indices = @transform_3, window_bounds = array<i64: 512, 128>}]} {
    %eq3A = arith.constant 0 : i32
    %eq3A_0 = arith.cmpi eq, %arg0, %eq3A : i32
    %convert_element_type3A = arith.extui %eq3A_0 : i1 to i32
    %cond3A = arith.constant 0 : i32
    %cond3A_1 = arith.cmpi ne, %convert_element_type3A, %cond3A : i32
    scf.if %cond3A_1 {
      %broadcast_in_dim3A_43 = arith.constant 0.000000e+00 : f32
      %broadcast_in_dim3A_44 = vector.broadcast %broadcast_in_dim3A_43 : f32 to vector<512x128xf32>
      %swap3A_45 = arith.constant 0 : index
      %swap3A_46 = arith.constant 0 : index
      %swap3A_47 = vector.load %arg3[%swap3A_45, %swap3A_46] : memref<512x128xf32, #tpu.memory_space<vmem>>, vector<512x128xf32>
      tpu.vector_store %arg3[%swap3A_45, %swap3A_46], %broadcast_in_dim3A_44 {strides = array<i32>} : memref<512x128xf32, #tpu.memory_space<vmem>>, vector<512x128xf32>,
      %broadcast_in_dim3A_48 = arith.constant 0.000000e+00 : f32
      %broadcast_in_dim3A_49 = vector.broadcast %broadcast_in_dim3A_48 : f32 to vector<512x128xf32>
      %swap3A_50 = arith.constant 0 : index
      %swap3A_51 = arith.constant 0 : index
      %swap3A_52 = vector.load %arg4[%swap3A_50, %swap3A_51] : memref<512x128xf32, #tpu.memory_space<vmem>>, vector<512x128xf32>
      tpu.vector_store %arg4[%swap3A_50, %swap3A_51], %broadcast_in_dim3A_49 {strides = array<i32>} : memref<512x128xf32, #tpu.memory_space<vmem>>, vector<512x128xf32>,
    } else {
    }
    %iota3A = tpu.iota {dimensions = array<i32: 0>} : vector<512x1xi32>
    %mul3A = arith.constant 512 : i32
    %mul3A_2 = arith.muli %arg0, %mul3A : i32
    %add3A = vector.broadcast %mul3A_2 : i32 to vector<512x1xi32>
    %add3A_3 = arith.addi %iota3A, %add3A : vector<512x1xi32>
    %lt3A = arith.constant 500000 : i32
    %lt3A_4 = vector.broadcast %lt3A : i32 to vector<512x1xi32>
    %lt3A_5 = arith.cmpi slt, %add3A_3, %lt3A_4 : vector<512x1xi32>
    %get3A = arith.constant 0 : index
    %get3A_6 = arith.constant 0 : index
    %get3A_7 = vector.load %arg1[%get3A, %get3A_6] : memref<512x128xf32, #tpu.memory_space<vmem>>, vector<512x128xf32>
    %jit3A = arith.constant 0.000000e+00 : f32
    %broadcast_in_dim3A = vector.shape_cast %lt3A_5 : vector<512x1xi1> to vector<512x1xi1>
    %broadcast_in_dim3A_8 = vector.broadcast %broadcast_in_dim3A : vector<512x1xi1> to vector<512x128xi1>
    %broadcast_in_dim3A_9 = vector.broadcast %jit3A : f32 to vector<512x128xf32>
    %select_n3A = arith.select %broadcast_in_dim3A_8, %get3A_7, %broadcast_in_dim3A_9 : vector<512x128xi1>, vector<512x128xf32>
    %get3A_10 = arith.constant 0 : index
    %get3A_11 = arith.constant 0 : index
    %get3A_12 = arith.constant 0 : index
    %get3A_13 = vector.load %arg2[%get3A_10, %get3A_11, %get3A_12] : memref<1x1x512xi32, #tpu.memory_space<vmem>>, vector<1x1x512xi32>
    %squeeze3A = vector.shape_cast %get3A_13 : vector<1x1x512xi32> to vector<512xi32>
    %broadcast_in_dim3A_14 = vector.shape_cast %squeeze3A : vector<512xi32> to vector<512x1xi32>
    %iota3A_15 = tpu.iota {dimensions = array<i32: 1>} : vector<512x512xi32>
    %eq3A_16 = vector.broadcast %broadcast_in_dim3A_14 : vector<512x1xi32> to vector<512x512xi32>
    %eq3A_17 = arith.cmpi eq, %eq3A_16, %iota3A_15 : vector<512x512xi32>
    %convert_element_type3A_18 = arith.extui %eq3A_17 : vector<512x512xi1> to vector<512x512xi32>
    %convert_element_type3A_19 = arith.sitofp %convert_element_type3A_18 : vector<512x512xi32> to vector<512x512xf32>
    %jit3A_20 = arith.constant 0.000000e+00 : f32
    %broadcast_in_dim3A_21 = vector.shape_cast %lt3A_5 : vector<512x1xi1> to vector<512x1xi1>
    %broadcast_in_dim3A_22 = vector.broadcast %broadcast_in_dim3A_21 : vector<512x1xi1> to vector<512x512xi1>
    %broadcast_in_dim3A_23 = vector.broadcast %jit3A_20 : f32 to vector<512x512xf32>
    %select_n3A_24 = arith.select %broadcast_in_dim3A_22, %convert_element_type3A_19, %broadcast_in_dim3A_23 : vector<512x512xi1>, vector<512x512xf32>
    %get3A_25 = arith.constant 0 : index
    %get3A_26 = arith.constant 0 : index
    %get3A_27 = vector.load %arg3[%get3A_25, %get3A_26] : memref<512x128xf32, #tpu.memory_space<vmem>>, vector<512x128xf32>
    %dot_general3A = arith.constant dense<0.000000e+00> : vector<512x128xf32>
    %dot_general3A_28 = tpu.matmul %select_n3A_24, %select_n3A, %dot_general3A {dimension_numbers = #tpu.dot_dimension_numbers<[0], [0], [1], [1], [0, 1, 1, 1], [], []>, transpose_lhs_hint = false} : vector<512x512xf32>, vector<512x128xf32>, vector<512x128xf32> -> vector<512x128xf32>
    %add3A_29 = arith.addf %get3A_27, %dot_general3A_28 : vector<512x128xf32>
    %swap3A = arith.constant 0 : index
    %swap3A_30 = arith.constant 0 : index
    %swap3A_31 = vector.load %arg3[%swap3A, %swap3A_30] : memref<512x128xf32, #tpu.memory_space<vmem>>, vector<512x128xf32>
    tpu.vector_store %arg3[%swap3A, %swap3A_30], %add3A_29 {strides = array<i32>} : memref<512x128xf32, #tpu.memory_space<vmem>>, vector<512x128xf32>,
    %get3A_32 = arith.constant 0 : index
    %get3A_33 = arith.constant 0 : index
    %get3A_34 = vector.load %arg4[%get3A_32, %get3A_33] : memref<512x128xf32, #tpu.memory_space<vmem>>, vector<512x128xf32>
    %broadcast_in_dim3A_35 = arith.constant 1.000000e+00 : f32
    %broadcast_in_dim3A_36 = vector.broadcast %broadcast_in_dim3A_35 : f32 to vector<512x128xf32>
    %dot_general3A_37 = arith.constant dense<0.000000e+00> : vector<512x128xf32>
    %dot_general3A_38 = tpu.matmul %select_n3A_24, %broadcast_in_dim3A_36, %dot_general3A_37 {dimension_numbers = #tpu.dot_dimension_numbers<[0], [0], [1], [1], [0, 1, 1, 1], [], []>, transpose_lhs_hint = false} : vector<512x512xf32>, vector<512x128xf32>, vector<512x128xf32> -> vector<512x128xf32>
    %add3A_39 = arith.addf %get3A_34, %dot_general3A_38 : vector<512x128xf32>
    %swap3A_40 = arith.constant 0 : index
    %swap3A_41 = arith.constant 0 : index
    %swap3A_42 = vector.load %arg4[%swap3A_40, %swap3A_41] : memref<512x128xf32, #tpu.memory_space<vmem>>, vector<512x128xf32>
    tpu.vector_store %arg4[%swap3A_40, %swap3A_41], %add3A_39 {strides = array<i32>} : memref<512x128xf32, #tpu.memory_space<vmem>>, vector<512x128xf32>,
    return
  }
  func.func @transform_0(%arg0: i32) -> (i32, i32) {
    %c0_i32 = arith.constant 0 : i32
    %c0_i32_0 = arith.constant 0 : i32
    return %arg0, %c0_i32 : i32, i32
  }
  func.func @transform_1(%arg0: i32) -> (i32, i32, i32) {
    %c0_i32 = arith.constant 0 : i32
    %c0_i32_0 = arith.constant 0 : i32
    %c0_i32_1 = arith.constant 0 : i32
    return %arg0, %c0_i32, %c0_i32_0 : i32, i32, i32
  }
  func.func @transform_2(%arg0: i32) -> (i32, i32) {
    %c0_i32 = arith.constant 0 : i32
    %c0_i32_0 = arith.constant 0 : i32
    %c0_i32_1 = arith.constant 0 : i32
    return %c0_i32, %c0_i32_0 : i32, i32
  }
  func.func @transform_3(%arg0: i32) -> (i32, i32) {
    %c0_i32 = arith.constant 0 : i32
    %c0_i32_0 = arith.constant 0 : i32
    %c0_i32_1 = arith.constant 0 : i32
    return %c0_i32, %c0_i32_0 : i32, i32
  }
}

module attributes {stable_mosaic.version = 14 : i64} {
  func.func @_tables_body(%arg0: i32, %arg1: memref<512x128xf32, #tpu.memory_space<vmem>>, %arg2: memref<512x128xf32, #tpu.memory_space<vmem>>, %arg3: memref<512x128xf32, #tpu.memory_space<vmem>>, %arg4: memref<128x128xf32, #tpu.memory_space<vmem>>, %arg5: memref<128x128xf32, #tpu.memory_space<vmem>>, %arg6: memref<128x128xf32, #tpu.memory_space<vmem>>, %arg7: memref<1x128xf32, #tpu.memory_space<vmem>>, %arg8: memref<1x128xf32, #tpu.memory_space<vmem>>, %arg9: memref<512x128xf32, #tpu.memory_space<vmem>>, %arg10: memref<512x128xf32, #tpu.memory_space<vmem>>) attributes {dimension_semantics = [#tpu.dimension_semantics<arbitrary>], iteration_bounds = array<i64: 98>, scalar_prefetch = 0 : i64, scratch_operands = 0 : i64, tpu.core_type = #tpu.core_type<tc>, window_params = [{transform_indices = @transform_0, window_bounds = array<i64: 512, 128>}, {pipeline_mode = #tpu.pipeline_mode<synchronous>, transform_indices = @transform_1, window_bounds = array<i64: 512, 128>}, {pipeline_mode = #tpu.pipeline_mode<synchronous>, transform_indices = @transform_2, window_bounds = array<i64: 512, 128>}, {pipeline_mode = #tpu.pipeline_mode<synchronous>, transform_indices = @transform_3, window_bounds = array<i64: 128, 128>}, {pipeline_mode = #tpu.pipeline_mode<synchronous>, transform_indices = @transform_4, window_bounds = array<i64: 128, 128>}, {pipeline_mode = #tpu.pipeline_mode<synchronous>, transform_indices = @transform_5, window_bounds = array<i64: 128, 128>}, {pipeline_mode = #tpu.pipeline_mode<synchronous>, transform_indices = @transform_6, window_bounds = array<i64: 1, 128>}, {pipeline_mode = #tpu.pipeline_mode<synchronous>, transform_indices = @transform_7, window_bounds = array<i64: 1, 128>}, {transform_indices = @transform_8, window_bounds = array<i64: 512, 128>}, {pipeline_mode = #tpu.pipeline_mode<synchronous>, transform_indices = @transform_9, window_bounds = array<i64: 512, 128>}]} {
    %iota3A = tpu.iota {dimensions = array<i32: 0>} : vector<512x1xi32>
    %lt3A = arith.constant 500 : i32
    %lt3A_0 = vector.broadcast %lt3A : i32 to vector<512x1xi32>
    %lt3A_1 = arith.cmpi slt, %iota3A, %lt3A_0 : vector<512x1xi32>
    %get3A = arith.constant 0 : index
    %get3A_2 = arith.constant 0 : index
    %get3A_3 = vector.load %arg2[%get3A, %get3A_2] : memref<512x128xf32, #tpu.memory_space<vmem>>, vector<512x128xf32>
    %jit3A = arith.constant 0.000000e+00 : f32
    %broadcast_in_dim3A = vector.shape_cast %lt3A_1 : vector<512x1xi1> to vector<512x1xi1>
    %broadcast_in_dim3A_4 = vector.broadcast %broadcast_in_dim3A : vector<512x1xi1> to vector<512x128xi1>
    %broadcast_in_dim3A_5 = vector.broadcast %jit3A : f32 to vector<512x128xf32>
    %select_n3A = arith.select %broadcast_in_dim3A_4, %get3A_3, %broadcast_in_dim3A_5 : vector<512x128xi1>, vector<512x128xf32>
    %reduce_sum3A = arith.constant dense<0.000000e+00> : vector<128xf32>
    %reduce_sum3A_6 = vector.multi_reduction <add>, %select_n3A, %reduce_sum3A [0] : vector<512x128xf32> to vector<128xf32>
    %broadcast_in_dim3A_7 = vector.shape_cast %reduce_sum3A_6 : vector<128xf32> to vector<1x128xf32>
    %get3A_8 = arith.constant 0 : index
    %get3A_9 = arith.constant 0 : index
    %get3A_10 = vector.load %arg6[%get3A_8, %get3A_9] : memref<128x128xf32, #tpu.memory_space<vmem>>, vector<128x128xf32>
    %dot_general3A = arith.constant dense<0.000000e+00> : vector<1x128xf32>
    %dot_general3A_11 = tpu.matmul %broadcast_in_dim3A_7, %get3A_10, %dot_general3A {dimension_numbers = #tpu.dot_dimension_numbers<[1], [0], [0], [1], [0, 0, 1, 1], [], []>, precision = #tpu.contract_precision<fp32>, transpose_lhs_hint = false} : vector<1x128xf32>, vector<128x128xf32>, vector<1x128xf32> -> vector<1x128xf32>
    %get3A_12 = arith.constant 0 : index
    %get3A_13 = arith.constant 0 : index
    %get3A_14 = vector.load %arg7[%get3A_12, %get3A_13] : memref<1x128xf32, #tpu.memory_space<vmem>>, vector<1x128xf32>
    %mul3A = arith.constant 2.000000e-06 : f32
    %mul3A_15 = vector.broadcast %mul3A : f32 to vector<1x128xf32>
    %mul3A_16 = arith.mulf %dot_general3A_11, %mul3A_15 : vector<1x128xf32>
    %add3A = arith.addf %get3A_14, %mul3A_16 : vector<1x128xf32>
    %mul3A_17 = arith.constant 2.500000e-01 : f32
    %mul3A_18 = vector.broadcast %mul3A_17 : f32 to vector<1x128xf32>
    %mul3A_19 = arith.mulf %mul3A_18, %add3A : vector<1x128xf32>
    %get3A_20 = arith.constant 0 : index
    %get3A_21 = arith.constant 0 : index
    %get3A_22 = vector.load %arg3[%get3A_20, %get3A_21] : memref<512x128xf32, #tpu.memory_space<vmem>>, vector<512x128xf32>
    %max3A = arith.constant 1.000000e+00 : f32
    %max3A_23 = vector.broadcast %max3A : f32 to vector<512x128xf32>
    %max3A_24 = arith.maximumf %get3A_22, %max3A_23 : vector<512x128xf32>
    %div3A = arith.divf %select_n3A, %max3A_24 : vector<512x128xf32>
    %get3A_25 = arith.constant 0 : index
    %get3A_26 = arith.constant 0 : index
    %get3A_27 = vector.load %arg5[%get3A_25, %get3A_26] : memref<128x128xf32, #tpu.memory_space<vmem>>, vector<128x128xf32>
    %dot_general3A_28 = arith.constant dense<0.000000e+00> : vector<512x128xf32>
    %dot_general3A_29 = tpu.matmul %div3A, %get3A_27, %dot_general3A_28 {dimension_numbers = #tpu.dot_dimension_numbers<[1], [0], [0], [1], [0, 0, 1, 1], [], []>, precision = #tpu.contract_precision<fp32>, transpose_lhs_hint = false} : vector<512x128xf32>, vector<128x128xf32>, vector<512x128xf32> -> vector<512x128xf32>
    %get3A_30 = arith.constant 0 : index
    %get3A_31 = arith.constant 0 : index
    %get3A_32 = vector.load %arg8[%get3A_30, %get3A_31] : memref<1x128xf32, #tpu.memory_space<vmem>>, vector<1x128xf32>
    %add3A_33 = vector.broadcast %get3A_32 : vector<1x128xf32> to vector<512x128xf32>
    %add3A_34 = arith.addf %dot_general3A_29, %add3A_33 : vector<512x128xf32>
    %mul3A_35 = arith.constant 2.500000e-01 : f32
    %mul3A_36 = vector.broadcast %mul3A_35 : f32 to vector<512x128xf32>
    %mul3A_37 = arith.mulf %mul3A_36, %add3A_34 : vector<512x128xf32>
    %jit3A_38 = arith.constant 0.000000e+00 : f32
    %broadcast_in_dim3A_39 = vector.shape_cast %lt3A_1 : vector<512x1xi1> to vector<512x1xi1>
    %broadcast_in_dim3A_40 = vector.broadcast %broadcast_in_dim3A_39 : vector<512x1xi1> to vector<512x128xi1>
    %broadcast_in_dim3A_41 = vector.broadcast %jit3A_38 : f32 to vector<512x128xf32>
    %select_n3A_42 = arith.select %broadcast_in_dim3A_40, %mul3A_37, %broadcast_in_dim3A_41 : vector<512x128xi1>, vector<512x128xf32>
    %swap3A = arith.constant 0 : index
    %swap3A_43 = arith.constant 0 : index
    %swap3A_44 = vector.load %arg10[%swap3A, %swap3A_43] : memref<512x128xf32, #tpu.memory_space<vmem>>, vector<512x128xf32>
    tpu.vector_store %arg10[%swap3A, %swap3A_43], %select_n3A_42 {strides = array<i32>} : memref<512x128xf32, #tpu.memory_space<vmem>>, vector<512x128xf32>,
    %get3A_45 = arith.constant 0 : index
    %get3A_46 = arith.constant 0 : index
    %get3A_47 = vector.load %arg1[%get3A_45, %get3A_46] : memref<512x128xf32, #tpu.memory_space<vmem>>, vector<512x128xf32>
    %get3A_48 = arith.constant 0 : index
    %get3A_49 = arith.constant 0 : index
    %get3A_50 = vector.load %arg4[%get3A_48, %get3A_49] : memref<128x128xf32, #tpu.memory_space<vmem>>, vector<128x128xf32>
    %dot_general3A_51 = arith.constant dense<0.000000e+00> : vector<512x128xf32>
    %dot_general3A_52 = tpu.matmul %get3A_47, %get3A_50, %dot_general3A_51 {dimension_numbers = #tpu.dot_dimension_numbers<[1], [0], [0], [1], [0, 0, 1, 1], [], []>, precision = #tpu.contract_precision<fp32>, transpose_lhs_hint = false} : vector<512x128xf32>, vector<128x128xf32>, vector<512x128xf32> -> vector<512x128xf32>
    %mul3A_53 = arith.constant 2.500000e-01 : f32
    %mul3A_54 = vector.broadcast %mul3A_53 : f32 to vector<512x128xf32>
    %mul3A_55 = arith.mulf %mul3A_54, %dot_general3A_52 : vector<512x128xf32>
    %add3A_56 = vector.broadcast %mul3A_19 : vector<1x128xf32> to vector<512x128xf32>
    %add3A_57 = arith.addf %mul3A_55, %add3A_56 : vector<512x128xf32>
    %swap3A_58 = arith.constant 0 : index
    %swap3A_59 = arith.constant 0 : index
    %swap3A_60 = vector.load %arg9[%swap3A_58, %swap3A_59] : memref<512x128xf32, #tpu.memory_space<vmem>>, vector<512x128xf32>
    tpu.vector_store %arg9[%swap3A_58, %swap3A_59], %add3A_57 {strides = array<i32>} : memref<512x128xf32, #tpu.memory_space<vmem>>, vector<512x128xf32>,
    return
  }
  func.func @transform_0(%arg0: i32) -> (i32, i32) {
    %c0_i32 = arith.constant 0 : i32
    %c0_i32_0 = arith.constant 0 : i32
    return %arg0, %c0_i32 : i32, i32
  }
  func.func @transform_1(%arg0: i32) -> (i32, i32) {
    %c0_i32 = arith.constant 0 : i32
    %c0_i32_0 = arith.constant 0 : i32
    %c0_i32_1 = arith.constant 0 : i32
    return %c0_i32, %c0_i32_0 : i32, i32
  }
  func.func @transform_2(%arg0: i32) -> (i32, i32) {
    %c0_i32 = arith.constant 0 : i32
    %c0_i32_0 = arith.constant 0 : i32
    %c0_i32_1 = arith.constant 0 : i32
    return %c0_i32, %c0_i32_0 : i32, i32
  }
  func.func @transform_3(%arg0: i32) -> (i32, i32) {
    %c0_i32 = arith.constant 0 : i32
    %c0_i32_0 = arith.constant 0 : i32
    %c0_i32_1 = arith.constant 0 : i32
    return %c0_i32, %c0_i32_0 : i32, i32
  }
  func.func @transform_4(%arg0: i32) -> (i32, i32) {
    %c0_i32 = arith.constant 0 : i32
    %c0_i32_0 = arith.constant 0 : i32
    %c0_i32_1 = arith.constant 0 : i32
    return %c0_i32, %c0_i32_0 : i32, i32
  }
  func.func @transform_5(%arg0: i32) -> (i32, i32) {
    %c0_i32 = arith.constant 0 : i32
    %c0_i32_0 = arith.constant 0 : i32
    %c0_i32_1 = arith.constant 0 : i32
    return %c0_i32, %c0_i32_0 : i32, i32
  }
  func.func @transform_6(%arg0: i32) -> (i32, i32) {
    %c0_i32 = arith.constant 0 : i32
    %c0_i32_0 = arith.constant 0 : i32
    %c0_i32_1 = arith.constant 0 : i32
    return %c0_i32, %c0_i32_0 : i32, i32
  }
  func.func @transform_7(%arg0: i32) -> (i32, i32) {
    %c0_i32 = arith.constant 0 : i32
    %c0_i32_0 = arith.constant 0 : i32
    %c0_i32_1 = arith.constant 0 : i32
    return %c0_i32, %c0_i32_0 : i32, i32
  }
  func.func @transform_8(%arg0: i32) -> (i32, i32) {
    %c0_i32 = arith.constant 0 : i32
    %c0_i32_0 = arith.constant 0 : i32
    return %arg0, %c0_i32 : i32, i32
  }
  func.func @transform_9(%arg0: i32) -> (i32, i32) {
    %c0_i32 = arith.constant 0 : i32
    %c0_i32_0 = arith.constant 0 : i32
    %c0_i32_1 = arith.constant 0 : i32
    return %c0_i32, %c0_i32_0 : i32, i32
  }
}

module attributes {stable_mosaic.version = 14 : i64} {
  func.func @_final_body(%arg0: i32, %arg1: memref<512x128xf32, #tpu.memory_space<vmem>>, %arg2: memref<512x128xf32, #tpu.memory_space<vmem>>, %arg3: memref<1x1x512xi32, #tpu.memory_space<vmem>>, %arg4: memref<128x128xf32, #tpu.memory_space<vmem>>, %arg5: memref<512x128xf32, #tpu.memory_space<vmem>>, %arg6: memref<512x128xf32, #tpu.memory_space<vmem>>) attributes {dimension_semantics = [#tpu.dimension_semantics<arbitrary>], iteration_bounds = array<i64: 977>, scalar_prefetch = 0 : i64, scratch_operands = 0 : i64, tpu.core_type = #tpu.core_type<tc>, window_params = [{transform_indices = @transform_0, window_bounds = array<i64: 512, 128>}, {transform_indices = @transform_1, window_bounds = array<i64: 512, 128>}, {transform_indices = @transform_2, window_bounds = array<i64: 1, 1, 512>}, {pipeline_mode = #tpu.pipeline_mode<synchronous>, transform_indices = @transform_3, window_bounds = array<i64: 128, 128>}, {pipeline_mode = #tpu.pipeline_mode<synchronous>, transform_indices = @transform_4, window_bounds = array<i64: 512, 128>}, {transform_indices = @transform_5, window_bounds = array<i64: 512, 128>}]} {
    %get3A = arith.constant 0 : index
    %get3A_0 = arith.constant 0 : index
    %get3A_1 = arith.constant 0 : index
    %get3A_2 = vector.load %arg3[%get3A, %get3A_0, %get3A_1] : memref<1x1x512xi32, #tpu.memory_space<vmem>>, vector<1x1x512xi32>
    %squeeze3A = vector.shape_cast %get3A_2 : vector<1x1x512xi32> to vector<512xi32>
    %broadcast_in_dim3A = vector.shape_cast %squeeze3A : vector<512xi32> to vector<512x1xi32>
    %iota3A = tpu.iota {dimensions = array<i32: 1>} : vector<512x512xi32>
    %eq3A = vector.broadcast %broadcast_in_dim3A : vector<512x1xi32> to vector<512x512xi32>
    %eq3A_3 = arith.cmpi eq, %eq3A, %iota3A : vector<512x512xi32>
    %convert_element_type3A = arith.extui %eq3A_3 : vector<512x512xi1> to vector<512x512xi32>
    %convert_element_type3A_4 = arith.sitofp %convert_element_type3A : vector<512x512xi32> to vector<512x512xf32>
    %get3A_5 = arith.constant 0 : index
    %get3A_6 = arith.constant 0 : index
    %get3A_7 = vector.load %arg1[%get3A_5, %get3A_6] : memref<512x128xf32, #tpu.memory_space<vmem>>, vector<512x128xf32>
    %get3A_8 = arith.constant 0 : index
    %get3A_9 = arith.constant 0 : index
    %get3A_10 = vector.load %arg4[%get3A_8, %get3A_9] : memref<128x128xf32, #tpu.memory_space<vmem>>, vector<128x128xf32>
    %dot_general3A = arith.constant dense<0.000000e+00> : vector<512x128xf32>
    %dot_general3A_11 = tpu.matmul %get3A_7, %get3A_10, %dot_general3A {dimension_numbers = #tpu.dot_dimension_numbers<[1], [0], [0], [1], [0, 0, 1, 1], [], []>, transpose_lhs_hint = false} : vector<512x128xf32>, vector<128x128xf32>, vector<512x128xf32> -> vector<512x128xf32>
    %mul3A = arith.constant 2.500000e-01 : f32
    %mul3A_12 = vector.broadcast %mul3A : f32 to vector<512x128xf32>
    %mul3A_13 = arith.mulf %mul3A_12, %dot_general3A_11 : vector<512x128xf32>
    %get3A_14 = arith.constant 0 : index
    %get3A_15 = arith.constant 0 : index
    %get3A_16 = vector.load %arg2[%get3A_14, %get3A_15] : memref<512x128xf32, #tpu.memory_space<vmem>>, vector<512x128xf32>
    %add3A = arith.addf %mul3A_13, %get3A_16 : vector<512x128xf32>
    %get3A_17 = arith.constant 0 : index
    %get3A_18 = arith.constant 0 : index
    %get3A_19 = vector.load %arg5[%get3A_17, %get3A_18] : memref<512x128xf32, #tpu.memory_space<vmem>>, vector<512x128xf32>
    %dot_general3A_20 = arith.constant dense<0.000000e+00> : vector<512x128xf32>
    %dot_general3A_21 = tpu.matmul %convert_element_type3A_4, %get3A_19, %dot_general3A_20 {dimension_numbers = #tpu.dot_dimension_numbers<[1], [0], [0], [1], [0, 0, 1, 1], [], []>, transpose_lhs_hint = false} : vector<512x512xf32>, vector<512x128xf32>, vector<512x128xf32> -> vector<512x128xf32>
    %add3A_22 = arith.addf %add3A, %dot_general3A_21 : vector<512x128xf32>
    %swap3A = arith.constant 0 : index
    %swap3A_23 = arith.constant 0 : index
    %swap3A_24 = vector.load %arg6[%swap3A, %swap3A_23] : memref<512x128xf32, #tpu.memory_space<vmem>>, vector<512x128xf32>
    tpu.vector_store %arg6[%swap3A, %swap3A_23], %add3A_22 {strides = array<i32>} : memref<512x128xf32, #tpu.memory_space<vmem>>, vector<512x128xf32>,
    return
  }
  func.func @transform_0(%arg0: i32) -> (i32, i32) {
    %c0_i32 = arith.constant 0 : i32
    %c0_i32_0 = arith.constant 0 : i32
    return %arg0, %c0_i32 : i32, i32
  }
  func.func @transform_1(%arg0: i32) -> (i32, i32) {
    %c0_i32 = arith.constant 0 : i32
    %c0_i32_0 = arith.constant 0 : i32
    return %arg0, %c0_i32 : i32, i32
  }
  func.func @transform_2(%arg0: i32) -> (i32, i32, i32) {
    %c0_i32 = arith.constant 0 : i32
    %c0_i32_0 = arith.constant 0 : i32
    %c0_i32_1 = arith.constant 0 : i32
    return %arg0, %c0_i32, %c0_i32_0 : i32, i32, i32
  }
  func.func @transform_3(%arg0: i32) -> (i32, i32) {
    %c0_i32 = arith.constant 0 : i32
    %c0_i32_0 = arith.constant 0 : i32
    %c0_i32_1 = arith.constant 0 : i32
    return %c0_i32, %c0_i32_0 : i32, i32
  }
  func.func @transform_4(%arg0: i32) -> (i32, i32) {
    %c0_i32 = arith.constant 0 : i32
    %c0_i32_0 = arith.constant 0 : i32
    %c0_i32_1 = arith.constant 0 : i32
    return %c0_i32, %c0_i32_0 : i32, i32
  }
  func.func @transform_5(%arg0: i32) -> (i32, i32) {
    %c0_i32 = arith.constant 0 : i32
    %c0_i32_0 = arith.constant 0 : i32
    return %arg0, %c0_i32 : i32, i32
  }
}

</mosaic_0001>

<sc_bundles>
// kernel: kernel.6.cloned.1.call-start
scs
__scs_entry_jumppad:
0x0: {  	(pc) =	sbr.rel $0x88, $3  }
0x1: {  	(tag) =	ssettag $0x0;
	lr =	simm.s32 $0x1  }
0x2: {  	[smem:$0x3F96] =	sst lr;
	_ =	strace $0xD0000000  }
0x3: {  	_ = 	snop  }
0x4: {  	_ = 	snop  }
0x5: {  	_ = 	snop  }
0x6: {  	_ = 	snop  }
0x7: {  	_ = 	snop  }
__scs_overlays_trampoline_lowered:
0x8: {  	[smem:$0x3FA5] =	sst s0  }
0x9: {  	[smem:$0x3FA6] =	sst s1  }
0xa: {  	[smem:$0x3FA7] =	sst s2  }
0xb: {  	[smem:$0x3FA8] =	sst s3  }
0xc: {  	[smem:$0x3FA9] =	sst s4  }
0xd: {  	[smem:$0x3FAA] =	sst s5  }
0xe: {  	[smem:$0x3FAB] =	sst s6  }
0xf: {  	[smem:$0x3FAC] =	sst s7  }
0x10: {  	[smem:$0x3FAD] =	sst s8  }
0x11: {  	[smem:$0x3FAE] =	sst s9;
	s0 =	simm.s32 @!p0 $0x0  }
0x12: {  	s1 =	sld [smem:$0x3F94];
	s0 =	simm.s32 @p0 $0x1  }
0x13: {  	[smem:$0x3FAF] =	sst s0;
	s0 =	simm.s32 @!p1 $0x0  }
0x14: {  	s2 =	sld [smem:$0x3F93];
	s0 =	simm.s32 @p1 $0x1  }
0x15: {  	[smem:$0x3FB0] =	sst s0;
	s0 =	simm.s32 @!p2 $0x0  }
0x16: {  	s3 =	sld [smem:$0x3FDB];
	s0 =	simm.s32 @p2 $0x1  }
0x17: {  	s4 =	simm.s32 $0x1BF5;
	[smem:$0x3FB2] =	sst s0  }
0x18: {  	s0 =	sld [smem:$0x3F95];
	_ =	swait.ge [sflag:s4], $0x0  }
0x19: {  	s7 =	sld [smem:$0x3F96]  }
0x1a: {  	s8 =	sadd.s32 $0xFFFFE003, lr  }
0x1b: {  	s9 =	sadd.s32 $0xFFFFFEF7, lr;
	s5 =	simm.s32 $0xFFFFFFFF;
	p2 =	slt.u32 s8, $0xFFFFF086  }
0x1c: {  	p1 =	slt.u32 s9, $0xF7A;
	s5 =	simm.s32 @!p2 $0x0  }
0x1d: {  	s5 =	simm.s32 @p1 $0x1;
	p0 =	seq.s32 s7, s2  }
0x1e: {  	s7 =	smul.u32 @!p0 $0xF7A, s2;
	p2 =	seq.s32 @!p0 s5, $0x0  }
0x1f: {  	s9 =	smul.u32 $0xF7A, s1;
	s8 =	simm.s32 @!p0 $0x1BF5;
	p2 =	por !p2, p0  }
0x20: {  	[sflag:s8] =	ssyncset.s32 @!p0 $0xFFFFF086;
	s6 =	sadd.s32 @!p0 s3, s7;
	s7 =	simm.s32 @!p0 $0x108  }
0x21: {  	s3 =	sadd.s32 s3, s9;
	s6 =	sadd.s32 @!p0 $0x88, s6;
	s7 =	simm.s32 @p2 $0x1082  }
0x22: {  	[simem:s7], [sflag:s8] =	dma.local @!p0 [hbm:s6], $0xF7A  }
0x23: {  	s9 =	sor.u32 $0xD0000000, s2;
	s6 =	simm.s32 $0x108;
	_ =	swait.ge @!p0 [sflag:s8], $0x0  }
0x24: {  	s3 =	sadd.s32 $0x88, s3;
	s6 =	simm.s32 @!p1 $0x1082;
	[sflag:s4] =	ssyncset.s32 $0xFFFFF086  }
0x25: {  	[simem:s6], [sflag:s4] =	dma.local [hbm:s3], $0xF7A  }
0x26: {  	[smem:$0x3F96] =	sst s1;
	(tag) =	ssettag s2;
	_ =	strace s9  }
0x27: {  	s1 =	sld [smem:$0x3FA6]  }
0x28: {  	s2 =	sld [smem:$0x3FA7]  }
0x29: {  	s4 =	sld [smem:$0x3FA9]  }
0x2a: {  	p0 =	seq.s32 s5, $0x0;
	s5 =	sld [smem:$0x3FAA]  }
0x2b: {  	s6 =	sld [smem:$0x3FAB]  }
0x2c: {  	s7 =	sld [smem:$0x3FAC]  }
0x2d: {  	s3 =	simm.s32 $0x108;
	s8 =	sld [smem:$0x3FAD]  }
0x2e: {  	s3 =	simm.s32 @!p0 $0x1082;
	s9 =	sld [smem:$0x3FAE]  }
0x2f: {  	lr =	sadd.s32 s0, s3;
	s0 =	sld [smem:$0x3FA5]  }
0x30: {  	s3 =	sld [smem:$0x3FA8]  }
0x31: {  	[smem:$0x3FB1] =	sst s10  }
0x32: {  	s10 =	sld [smem:$0x3FAF];
	_ =	sdelay $0x3  }
0x33: {  	p0 =	seq.s32 s10, $0x1;
	s10 =	sld [smem:$0x3FB1];
	_ =	sdelay $0x3  }
0x34: {  	[smem:$0x3FB1] =	sst s10  }
0x35: {  	s10 =	sld [smem:$0x3FB0];
	_ =	sdelay $0x3  }
0x36: {  	p1 =	seq.s32 s10, $0x1;
	s10 =	sld [smem:$0x3FB1];
	_ =	sdelay $0x3  }
0x37: {  	[smem:$0x3FB1] =	sst s10  }
0x38: {  	s10 =	sld [smem:$0x3FB2]  }
0x39: {  	_ = 	snop;
	(pc) =	sbr.ind lr, $3  }
0x3a: {  	_ = 	snop  }
0x3b: {  	_ = 	snop  }
0x3c: {  	p2 =	seq.s32 s10, $0x1;
	s10 =	sld [smem:$0x3FB1]  }
0x3d: {  	_ =	shalt  }
0x3e: {  	_ =	shalt  }
0x3f: {  	_ =	shalt  }
0x40: {  	_ =	shalt  }
0x41: {  	_ =	shalt  }
0x42: {  	_ =	shalt  }
0x43: {  	_ =	shalt  }
0x44: {  	_ =	shalt  }
0x45: {  	_ =	shalt  }
0x46: {  	_ =	shalt  }
0x47: {  	_ =	shalt  }
0x48: {  	_ =	shalt  }
0x49: {  	_ =	shalt  }
0x4a: {  	_ =	shalt  }
0x4b: {  	_ =	shalt  }
0x4c: {  	_ =	shalt  }
0x4d: {  	_ =	shalt  }
0x4e: {  	_ =	shalt  }
0x4f: {  	_ =	shalt  }
0x50: {  	_ =	shalt  }
0x51: {  	_ =	shalt  }
0x52: {  	_ =	shalt  }
0x53: {  	_ =	shalt  }
0x54: {  	_ =	shalt  }
0x55: {  	_ =	shalt  }
0x56: {  	_ =	shalt  }
0x57: {  	_ =	shalt  }
0x58: {  	_ =	shalt  }
0x59: {  	_ =	shalt  }
0x5a: {  	_ =	shalt  }
0x5b: {  	_ =	shalt  }
0x5c: {  	_ =	shalt  }
0x5d: {  	_ =	shalt  }
0x5e: {  	_ =	shalt  }
0x5f: {  	_ =	shalt  }
0x60: {  	_ =	shalt  }
0x61: {  	_ =	shalt  }
0x62: {  	_ =	shalt  }
0x63: {  	_ =	shalt  }
0x64: {  	_ =	shalt  }
0x65: {  	_ =	shalt  }
0x66: {  	_ =	shalt  }
0x67: {  	_ =	shalt  }
0x68: {  	_ =	shalt  }
0x69: {  	_ =	shalt  }
0x6a: {  	_ =	shalt  }
0x6b: {  	_ =	shalt  }
0x6c: {  	_ =	shalt  }
0x6d: {  	_ =	shalt  }
0x6e: {  	_ =	shalt  }
0x6f: {  	_ =	shalt  }
0x70: {  	_ =	shalt  }
0x71: {  	_ =	shalt  }
0x72: {  	_ =	shalt  }
0x73: {  	_ =	shalt  }
0x74: {  	_ =	shalt  }
0x75: {  	_ =	shalt  }
0x76: {  	_ =	shalt  }
0x77: {  	_ =	shalt  }
0x78: {  	_ =	shalt  }
0x79: {  	_ =	shalt  }
0x7a: {  	_ =	shalt  }
0x7b: {  	_ =	shalt  }
0x7c: {  	_ =	shalt  }
0x7d: {  	_ =	shalt  }
0x7e: {  	_ =	shalt  }
0x7f: {  	_ =	shalt  }
0x80: {  	_ =	shalt  }
0x81: {  	_ =	shalt  }
0x82: {  	_ =	shalt  }
0x83: {  	_ =	shalt  }
0x84: {  	_ =	shalt  }
0x85: {  	_ =	shalt  }
0x86: {  	_ =	shalt  }
0x87: {  	_ =	shalt  }
.Lfunc_end0:
.L_simem_size_0:
called_computation.2_lowered:
.L_overlay_start_0:
0x88: {  	s2 =	sld [smem:$0x3FD9]  }
0x89: {  	s3 =	sld [smem:$0x3FFE];
	_ =	sdelay $0x1  }
0x8a: {  	s1 =	srdreg.scid  }
0x8b: {  	s0 =	sand.u32 $0x1, s1  }
0x8c: {  	s16 =	sshll.u32 s0, $0xA;
	s2 =	sadd.s32 s3, s2  }
0x8d: {  	s2 =	sadd.s32 s2, s16  }
0x8e: {  	[smem:$0x3FBD] =	sst s2  }
0x8f: {  	_ = 	snop  }
0x90: {  	(tm) =	ssettm $0x1  }
0x91: {  	s17 =	sld [smem:$0x3FFB];
	_ =	sdelay $0x3  }
0x92: {  	_ =	strace s17  }
0x93: {  	s2 =	sld [smem:$0x3FFC];
	_ =	sdelay $0x3  }
0x94: {  	_ =	strace s2  }
0x95: {  	s2 =	sld [smem:$0x3FFD];
	_ =	sdelay $0x3  }
0x96: {  	_ =	strace s2  }
0x97: {  	_ =	strace $0x8FFFFFFF  }
0x98: {  	s18 =	sld [smem:$0x3FDB];
	_ =	sdelay $0x1  }
0x99: {  	s19 =	simm.s32 $_scs_section_size  }
0x9a: {  	s4 =	simm.s32 $_size__tile_overlayer_lowered;
	s5 =	simm.s32 $_tile_overlayer_lowered  }
0x9b: {  	s22 =	simm.s32 $0x1BFF;
	s21 =	sshll.u32 s5, $0x1;
	s2 =	sadd.s32 s19, s18  }
0x9c: {  	s6 =	simm.s32 $0x0;
	s20 =	sshll.u32 s4, $0x1;
	s4 =	sadd.s32 s21, s2  }
0x9d: {  	[timem:s6], [sflag:s22] =	dma.local [hbm:s4], s20  }
0x9e: {  	_ =	swait.ge [sflag:s22], s20  }
0x9f: {  	s3 =	ssub.s32 $0x0, s20;
	[sflag:s22] =	ssyncset.done $0x0  }
0xa0: {  	[sflag:s22] =	ssyncadd.s32 s3;
	_ =	sdelay $0x1  }
0xa1: {  	s23 =	simm.s32 $0x1B8B  }
0xa2: {  	_ =	swait.ge [sflag:s23], $0x1  }
0xa3: {  	[sflag:s23] =	ssyncset.done $0x0  }
0xa4: {  	s25 =	simm.s32 $0x1B8E;
	s24 =	sld [smem:$0x3FFE];
	[sflag:s23] =	ssyncadd.s32 $0xFFFFFFFF  }
0xa5: {  	s26 =	simm.s32 $execute0_lowered;
	[smem:$0x3FD2] =	sst s25  }
0xa6: {  	s4 =	sshll.u32 s26, $0x1;
	_ =	strace $0x8000004C;
	[dreg:$0x1] =	wrdreg $0xFFFFFFFF  }
0xa7: {  	s28 =	simm.s32 $_size_execute0_lowered;
	s2 =	sadd.s32 s2, s4;
	[dreg:$0x0] =	wrdreg $0x0  }
0xa8: {  	s4 =	sshll.u32 s28, $0x1;
	[dreg:$0x2] =	wrdreg s2  }
0xa9: {  	[dreg:$0x3] =	wrdreg s4  }
0xaa: {  	[dreg:$0x4] =	wrdreg $0xC0  }
0xab: {  	_ =	task [dreg:s6], $0x5FFFF  }
0xac: {  	[dreg:$0x1] =	wrdreg $0xFFFFFFFF  }
0xad: {  	[dreg:$0x0] =	wrdreg $0x60  }
0xae: {  	[dreg:$0x2] =	wrdreg s24  }
0xaf: {  	[dreg:$0x3] =	wrdreg $0x9  }
0xb0: {  	_ =	task.clear_ibuf [dreg:s6], $0x4FFFF;
	_ =	strace $0x9000004C  }
0xb1: {  	s29 =	simm.s32 $0x9;
	_ =	strace $0x8000004E  }
0xb2: {  	_ =	swait.ge [sflag:s29], $0x1  }
0xb3: {  	[sflag:s29] =	ssyncadd.s32 $0xFFFFFFFF  }
0xb4: {  	_ =	strace $0x9000004E  }
0xb5: {  	_ =	sfence  }
0xb6: {  	s30 =	sld [smem:$0x0];
	_ =	sdelay $0x2  }
0xb7: {  	s31 =	sshll.u32 s1, $0xD;
	s1 =	sshrl.u32 s1, $0x2  }
0xb8: {  	s3 =	sand.u32 $0x4000, s31;
	s1 =	sadd.s32 s1, s30  }
0xb9: {  	s0 =	sor.u32 s3, s0;
	s1 =	sshll.u32 s1, $0x11  }
0xba: {  	s0 =	sor.u32 s1, s0  }
0xbb: {  	s0 =	sadd.s32 $0x8F2B, s0  }
0xbc: {  	[sflag:s0] =	ssyncadd.remote.s32 $0x1  }
0xbd: {  	_ =	sfence.sel $0xFFFF  }
0xbe: {  	[dreg:$0x0] =	wrdreg $0xFFFFFFFF;
	(pc) =	sbr.abs _section_cstart, $3  }
0xbf: {  	[dreg:$0x1] =	wrdreg $0xFFFFFFFF  }
0xc0: {  	_ =	task.clear_ibuf [dreg:s6], $0x2FFFF;
	_ =	strace $0x9FFFFFFF  }
0xc1: {  	(tm) =	ssettm $0x7FFFFFFF  }
tec
execute0_lowered:
.L_overlay_start_1:
0x0: {  	(tag) =	ssettag $0x1  }
0x1: {  	s4 =	rddreg [dreg:$0x0]  }
0x2: {  	s3 =	srdreg.scid;
	s1 =	stileid.u32;
	s2 =	simm.s32 $0x0  }
0x3: {  	s17 =	simm.s32 $0x4000;
	s18 =	simm.s32 $0x10100;
	s19 =	simm.s32 $0x8000  }
0x4: {  	s20 =	simm.s32 $0x10180;
	s21 =	simm.s32 $0xC000;
	s22 =	simm.s32 $0x1  }
0x5: {  	s23 =	simm.s32 $0x2;
	s5 =	sand.u32 $0x1, s3;
	s10 =	smul.u32 $0x3E0000, s1  }
0x6: {  	s24 =	sshll.u32 s1, $0x1;
	[smem:$0x7FF] =	sst s2;
	s13 =	smul.u32 $0xF8, s1  }
0x7: {  	s3 =	sadd.s32 $0x5EE00, s4;
	s12 =	sadd.s32 $0x4F600, s4;
	s29 =	smul.u32 $0x1F0000, s5  }
0x8: {  	s11 =	sadd.s32 $0x122600, s4;
	s6 =	sor.u32 s5, s24;
	s16 =	smul.u32 $0x7C, s5  }
0x9: {  	_ =	strace $0x8000004D;
	s26 =	sshll.u32 s5, $0x9;
	s7 =	smul.u32 $0x3E00, s6  }
0xa: {  	s9 =	ssub.s32 $0x2, s5;
	s24 =	simm.s32 $0x0;
	s8 =	smul.u32 $0x7C, s6  }
0xb: {  	s6 =	smul.u32 $0x1F0000, s6;
	s28 =	sshrl.u32 s9, $0x1;
	s30 =	sadd.s32 s16, s13  }
0xc: {  	s16 =	simm.s32 $0x10080;
	s25 =	sand.u32 $0x7FC00, s7;
	s7 =	ssub.s32 s9, s28  }
0xd: {  	s8 =	sadd.s32 $0x7A, s8;
	s6 =	sshrl.u32 s6, $0x3;
	s9 =	sadd.s32 s29, s10  }
0xe: {  	s13 =	sor.u32 $0x2, s30;
	s10 =	sshll.u32 s30, $0x4;
	s4 =	sor.u32 s26, s25  }
0xf: {  	s14 =	sshll.u32 s8, $0x4;
	s15 =	sadd.s32 s11, s6;
	s5 =	smax.u32 s7, $0x1  }
0x10: {  	s8 =	sshll.u32 s8, $0xB;
	s9 =	sshrl.u32 s9, $0x3;
	s13 =	sshrl.u32 s13, $0x1  }
0x11: {  	s10 =	sadd.s32 s12, s10;
	s4 =	sshrl.u32 s4, $0x3;
	s6 =	sadd.s32 s12, s14  }
0x12: {  	s7 =	sadd.s32 $0x3C000, s15;
	s8 =	sadd.s32 s11, s8;
	s9 =	sadd.s32 s9, s11  }
0x13: {  	s31 =	sshll.u32 s13, $0xC;
	s13 =	sshll.u32 s13, $0x5;
	s10 =	sadd.s32 $0x40, s10  }
0x14: {  	s14 =	simm.s32 $0x3;
	s15 =	simm.s32 $0x80;
	s4 =	sadd.s32 s12, s4  }
0x15: {  	s11 =	sadd.s32 s31, s11;
	s12 =	sadd.s32 s13, s12;
	s13 =	simm.s32 $0x10000  }
.LBB2_1:
0x16: {  	[tilespmem:s13], [sflag:$0x3] =	stream.linear.gather [hbm4b:s4+s2], $0x100, $0x38;
	[tilespmem:$0x10200] =	vst v63  }
0x17: {  	_ =	swait.ge [sflag:s14], $0x100  }
0x18: {  	[sflag:s14] =	ssyncset.done $0x0  }
0x19: {  	[sflag:s14] =	ssyncadd.s32 $0xFFFFFF00  }
0x1a: {  	[tilespmem:s2], [sflag:$0x1] =	stream.indirect.gather [hbm4b:s3+s15], $0x80, s13, s15, $0xb8;
	[tilespmem:$0x10200] =	vst v63  }
0x1b: {  	_ = 	snop  }
0x1c: {  	[tilespmem:s17], [sflag:$0x1] =	stream.indirect.gather [hbm4b:s3+s15], $0x80, s16, s15, $0xb8;
	[tilespmem:$0x10200] =	vst v63  }
0x1d: {  	s25 =	sadd.s32 $0x0, s12  }
0x1e: {  	[tilespmem:s18], [sflag:$0x3] =	stream.linear.gather [hbm4b:s25+s2], $0x100, $0x38;
	[tilespmem:$0x10200] =	vst v63  }
0x1f: {  	_ =	swait.ge [sflag:s14], $0x100  }
0x20: {  	[sflag:s14] =	ssyncset.done $0x0  }
0x21: {  	[sflag:s14] =	ssyncadd.s32 $0xFFFFFF00  }
0x22: {  	[tilespmem:s19], [sflag:$0x2] =	stream.indirect.gather [hbm4b:s3+s15], $0x80, s18, s15, $0xb8;
	[tilespmem:$0x10200] =	vst v63  }
0x23: {  	_ = 	snop  }
0x24: {  	[tilespmem:s21], [sflag:$0x2] =	stream.indirect.gather [hbm4b:s3+s15], $0x80, s20, s15, $0xb8;
	[tilespmem:$0x10200] =	vst v63  }
0x25: {  	_ =	swait.ge [sflag:s22], $0x4000  }
0x26: {  	[sflag:s22] =	ssyncset.done $0x0  }
0x27: {  	[sflag:s22] =	ssyncadd.s32 $0xFFFFC000  }
0x28: {  	_ =	swait.ge [sflag:s22], $0x4000  }
0x29: {  	[sflag:s22] =	ssyncset.done $0x0  }
0x2a: {  	[sflag:s22] =	ssyncadd.s32 $0xFFFFC000  }
0x2b: {  	[hbm4b:s9+s2] =	stream.linear.scatter [tilespmem:s2], [sflag:$0x3], $0x8000, $0x38;
	[tilespmem:$0x10200] =	vst v63  }
0x2c: {  	_ =	swait.ge [sflag:s14], $0x8000  }
0x2d: {  	[sflag:s14] =	ssyncset.done $0x0  }
0x2e: {  	s31 =	sadd.s32 $0x0, s10;
	[sflag:s14] =	ssyncadd.s32 $0xFFFF8000  }
0x2f: {  	[tilespmem:s13], [sflag:$0x3] =	stream.linear.gather [hbm4b:s31+s2], $0x100, $0x38;
	[tilespmem:$0x10200] =	vst v63  }
0x30: {  	_ =	swait.ge [sflag:s14], $0x100  }
0x31: {  	[sflag:s14] =	ssyncset.done $0x0  }
0x32: {  	[sflag:s14] =	ssyncadd.s32 $0xFFFFFF00  }
0x33: {  	[tilespmem:s2], [sflag:$0x1] =	stream.indirect.gather [hbm4b:s3+s15], $0x80, s13, s15, $0xb8;
	[tilespmem:$0x10200] =	vst v63  }
0x34: {  	_ = 	snop  }
0x35: {  	[tilespmem:s17], [sflag:$0x1] =	stream.indirect.gather [hbm4b:s3+s15], $0x80, s16, s15, $0xb8;
	[tilespmem:$0x10200] =	vst v63  }
0x36: {  	_ =	swait.ge [sflag:s23], $0x4000  }
0x37: {  	[sflag:s23] =	ssyncset.done $0x0  }
0x38: {  	[sflag:s23] =	ssyncadd.s32 $0xFFFFC000  }
0x39: {  	_ =	swait.ge [sflag:s23], $0x4000  }
0x3a: {  	[sflag:s23] =	ssyncset.done $0x0  }
0x3b: {  	[sflag:s23] =	ssyncadd.s32 $0xFFFFC000  }
0x3c: {  	[hbm4b:s11+s2] =	stream.linear.scatter [tilespmem:s19], [sflag:$0x3], $0x8000, $0x38;
	[tilespmem:$0x10200] =	vst v63  }
0x3d: {  	s26 =	simm.s32 $0x40;
	s30 =	simm.s32 $0x80;
	_ =	swait.ge [sflag:s14], $0x8000  }
0x3e: {  	s28 =	sadd.s32 $0x2000, s9;
	s25 =	sadd.s32 $0x2000, s11;
	[sflag:s14] =	ssyncset.done $0x0  }
.LBB2_2:
0x3f: {  	s31 =	sadd.s32 s26, s12  }
0x40: {  	[sflag:s14] =	ssyncadd.s32 $0xFFFF8000;
	s0 =	smov.u32 s30;
	s29 =	sadd.s32 $0x40, s30  }
0x41: {  	[tilespmem:s18], [sflag:$0x3] =	stream.linear.gather [hbm4b:s31+s2], $0x100, $0x38;
	[tilespmem:$0x10200] =	vst v63  }
0x42: {  	p0 =	sne.s32 s30, $0x740;
	_ =	swait.ge [sflag:s14], $0x100  }
0x43: {  	[sflag:s14] =	ssyncset.done $0x0  }
0x44: {  	[sflag:s14] =	ssyncadd.s32 $0xFFFFFF00  }
0x45: {  	[tilespmem:s19], [sflag:$0x2] =	stream.indirect.gather [hbm4b:s3+s15], $0x80, s18, s15, $0xb8;
	[tilespmem:$0x10200] =	vst v63  }
0x46: {  	_ = 	snop  }
0x47: {  	[tilespmem:s21], [sflag:$0x2] =	stream.indirect.gather [hbm4b:s3+s15], $0x80, s20, s15, $0xb8;
	[tilespmem:$0x10200] =	vst v63  }
0x48: {  	_ =	swait.ge [sflag:s22], $0x4000  }
0x49: {  	[sflag:s22] =	ssyncset.done $0x0  }
0x4a: {  	[sflag:s22] =	ssyncadd.s32 $0xFFFFC000  }
0x4b: {  	_ =	swait.ge [sflag:s22], $0x4000  }
0x4c: {  	[sflag:s22] =	ssyncset.done $0x0  }
0x4d: {  	[sflag:s22] =	ssyncadd.s32 $0xFFFFC000  }
0x4e: {  	[hbm4b:s28+s2] =	stream.linear.scatter [tilespmem:s2], [sflag:$0x3], $0x8000, $0x38;
	[tilespmem:$0x10200] =	vst v63  }
0x4f: {  	_ =	swait.ge [sflag:s14], $0x8000  }
0x50: {  	[sflag:s14] =	ssyncset.done $0x0  }
0x51: {  	s30 =	sadd.s32 s26, s10;
	s26 =	smov.u32 s0;
	[sflag:s14] =	ssyncadd.s32 $0xFFFF8000  }
0x52: {  	[tilespmem:s13], [sflag:$0x3] =	stream.linear.gather [hbm4b:s30+s2], $0x100, $0x38;
	[tilespmem:$0x10200] =	vst v63  }
0x53: {  	_ =	swait.ge [sflag:s14], $0x100  }
0x54: {  	[sflag:s14] =	ssyncset.done $0x0  }
0x55: {  	[sflag:s14] =	ssyncadd.s32 $0xFFFFFF00  }
0x56: {  	[tilespmem:s2], [sflag:$0x1] =	stream.indirect.gather [hbm4b:s3+s15], $0x80, s13, s15, $0xb8;
	[tilespmem:$0x10200] =	vst v63  }
0x57: {  	_ = 	snop  }
0x58: {  	[tilespmem:s17], [sflag:$0x1] =	stream.indirect.gather [hbm4b:s3+s15], $0x80, s16, s15, $0xb8;
	[tilespmem:$0x10200] =	vst v63  }
0x59: {  	_ =	swait.ge [sflag:s23], $0x4000  }
0x5a: {  	[sflag:s23] =	ssyncset.done $0x0  }
0x5b: {  	[sflag:s23] =	ssyncadd.s32 $0xFFFFC000  }
0x5c: {  	_ =	swait.ge [sflag:s23], $0x4000  }
.Ltmp0:
0x5d: {  	[sflag:s23] =	ssyncset.done $0x0;
	(pc) =	sbr.rel @p0 .LBB2_2-.Ltmp0, $4  }
0x5e: {  	[sflag:s23] =	ssyncadd.s32 $0xFFFFC000  }
0x5f: {  	[hbm4b:s25+s2] =	stream.linear.scatter [tilespmem:s19], [sflag:$0x3], $0x8000, $0x38;
	[tilespmem:$0x10200] =	vst v63  }
0x60: {  	s28 =	sadd.s32 $0x2000, s28;
	_ =	swait.ge [sflag:s14], $0x8000  }
0x61: {  	s30 =	smov.u32 s29;
	s25 =	sadd.s32 $0x2000, s25;
	[sflag:s14] =	ssyncset.done $0x0  }
0x62: {  	s0 =	sadd.s32 s26, s12;
	[sflag:s14] =	ssyncadd.s32 $0xFFFF8000  }
0x63: {  	[tilespmem:s18], [sflag:$0x3] =	stream.linear.gather [hbm4b:s0+s2], $0x100, $0x38;
	[tilespmem:$0x10200] =	vst v63  }
0x64: {  	_ =	swait.ge [sflag:s14], $0x100  }
0x65: {  	[sflag:s14] =	ssyncset.done $0x0  }
0x66: {  	[sflag:s14] =	ssyncadd.s32 $0xFFFFFF00  }
0x67: {  	[tilespmem:s19], [sflag:$0x2] =	stream.indirect.gather [hbm4b:s3+s15], $0x80, s18, s15, $0xb8;
	[tilespmem:$0x10200] =	vst v63  }
0x68: {  	_ = 	snop  }
0x69: {  	[tilespmem:s21], [sflag:$0x2] =	stream.indirect.gather [hbm4b:s3+s15], $0x80, s20, s15, $0xb8;
	[tilespmem:$0x10200] =	vst v63  }
0x6a: {  	_ =	swait.ge [sflag:s22], $0x4000  }
0x6b: {  	[sflag:s22] =	ssyncset.done $0x0  }
0x6c: {  	[sflag:s22] =	ssyncadd.s32 $0xFFFFC000  }
0x6d: {  	_ =	swait.ge [sflag:s22], $0x4000  }
0x6e: {  	[sflag:s22] =	ssyncset.done $0x0  }
0x6f: {  	[sflag:s22] =	ssyncadd.s32 $0xFFFFC000  }
0x70: {  	[hbm4b:s28+s2] =	stream.linear.scatter [tilespmem:s2], [sflag:$0x3], $0x8000, $0x38;
	[tilespmem:$0x10200] =	vst v63  }
0x71: {  	_ =	swait.ge [sflag:s14], $0x8000  }
0x72: {  	[sflag:s14] =	ssyncset.done $0x0  }
0x73: {  	s31 =	sadd.s32 s26, s10;
	[sflag:s14] =	ssyncadd.s32 $0xFFFF8000  }
0x74: {  	[tilespmem:s13], [sflag:$0x3] =	stream.linear.gather [hbm4b:s31+s2], $0x100, $0x38;
	[tilespmem:$0x10200] =	vst v63  }
0x75: {  	_ =	swait.ge [sflag:s14], $0x100  }
0x76: {  	[sflag:s14] =	ssyncset.done $0x0  }
0x77: {  	[sflag:s14] =	ssyncadd.s32 $0xFFFFFF00  }
0x78: {  	[tilespmem:s2], [sflag:$0x1] =	stream.indirect.gather [hbm4b:s3+s15], $0x80, s13, s15, $0xb8;
	[tilespmem:$0x10200] =	vst v63  }
0x79: {  	_ = 	snop  }
0x7a: {  	[tilespmem:s17], [sflag:$0x1] =	stream.indirect.gather [hbm4b:s3+s15], $0x80, s16, s15, $0xb8;
	[tilespmem:$0x10200] =	vst v63  }
0x7b: {  	_ =	swait.ge [sflag:s23], $0x4000  }
0x7c: {  	[sflag:s23] =	ssyncset.done $0x0  }
0x7d: {  	[sflag:s23] =	ssyncadd.s32 $0xFFFFC000  }
0x7e: {  	_ =	swait.ge [sflag:s23], $0x4000  }
0x7f: {  	[sflag:s23] =	ssyncset.done $0x0  }
0x80: {  	[sflag:s23] =	ssyncadd.s32 $0xFFFFC000  }
0x81: {  	[hbm4b:s25+s2] =	stream.linear.scatter [tilespmem:s19], [sflag:$0x3], $0x8000, $0x38;
	[tilespmem:$0x10200] =	vst v63  }
0x82: {  	_ =	swait.ge [sflag:s14], $0x8000  }
0x83: {  	[sflag:s14] =	ssyncset.done $0x0  }
0x84: {  	[sflag:s14] =	ssyncadd.s32 $0xFFFF8000  }
0x85: {  	[tilespmem:s18], [sflag:$0x3] =	stream.linear.gather [hbm4b:s6+s2], $0x100, $0x38;
	[tilespmem:$0x10200] =	vst v63  }
0x86: {  	_ =	swait.ge [sflag:s14], $0x100  }
0x87: {  	[sflag:s14] =	ssyncset.done $0x0  }
0x88: {  	[sflag:s14] =	ssyncadd.s32 $0xFFFFFF00  }
0x89: {  	[tilespmem:s19], [sflag:$0x2] =	stream.indirect.gather [hbm4b:s3+s15], $0x80, s18, s15, $0xb8;
	[tilespmem:$0x10200] =	vst v63  }
0x8a: {  	_ = 	snop  }
0x8b: {  	[tilespmem:s21], [sflag:$0x2] =	stream.indirect.gather [hbm4b:s3+s15], $0x80, s20, s15, $0xb8;
	[tilespmem:$0x10200] =	vst v63  }
0x8c: {  	_ =	swait.ge [sflag:s22], $0x4000  }
0x8d: {  	[sflag:s22] =	ssyncset.done $0x0  }
0x8e: {  	[sflag:s22] =	ssyncadd.s32 $0xFFFFC000  }
0x8f: {  	_ =	swait.ge [sflag:s22], $0x4000  }
0x90: {  	[sflag:s22] =	ssyncset.done $0x0  }
0x91: {  	[sflag:s22] =	ssyncadd.s32 $0xFFFFC000  }
0x92: {  	[hbm4b:s7+s2] =	stream.linear.scatter [tilespmem:s2], [sflag:$0x3], $0x8000, $0x38;
	[tilespmem:$0x10200] =	vst v63  }
0x93: {  	_ =	swait.ge [sflag:s14], $0x8000  }
0x94: {  	[sflag:s14] =	ssyncset.done $0x0  }
0x95: {  	[sflag:s14] =	ssyncadd.s32 $0xFFFF8000  }
0x96: {  	_ =	swait.ge [sflag:s23], $0x4000  }
0x97: {  	[sflag:s23] =	ssyncset.done $0x0  }
0x98: {  	[sflag:s23] =	ssyncadd.s32 $0xFFFFC000  }
0x99: {  	s24 =	sadd.s32 $0x1, s24;
	_ =	swait.ge [sflag:s23], $0x4000  }
0x9a: {  	p0 =	sne.s32 s24, s5;
	[sflag:s23] =	ssyncset.done $0x0  }
.Ltmp1:
0x9b: {  	[sflag:s23] =	ssyncadd.s32 $0xFFFFC000;
	(pc) =	sbr.rel @p0 .LBB2_1-.Ltmp1, $4  }
0x9c: {  	[hbm4b:s8+s2] =	stream.linear.scatter [tilespmem:s19], [sflag:$0x3], $0x8000, $0x38;
	[tilespmem:$0x10200] =	vst v63  }
0x9d: {  	_ =	swait.ge [sflag:s14], $0x8000  }
0x9e: {  	[sflag:s14] =	ssyncset.done $0x0  }
0x9f: {  	[sflag:s14] =	ssyncadd.s32 $0xFFFF8000  }
0xa0: {  	_ =	sfence.sel $0x180000  }
0xa1: {  	[bflag:$0x0] =	sbarrier.arrive $0xFFFF  }
0xa2: {  	_ =	strace $0x9000004D  }
0xa3: {  	[bflag:$0x2] =	sbarrier.arrive $0xFFFF  }
0xa4: {  	p0 =	sne.s32 s1, $0x0;
	s0 =	rddreg [dreg:$0x1]  }
0xa5: {  	s0 =	sadd.s32 @!p0 $0x100000, s0  }
0xa6: {  	[sflag:s0] =	ssyncadd.tile.s32 @!p0 $0x1;
	_ =	shalt  }
.Lfunc_end2:
_tile_overlayer_lowered:
.L_overlay_start_2:
0xa7: {  	(tag) =	ssettag $0x2  }
0xa8: {  	s0 =	rddreg [dreg:$0x0];
	s2 =	stileid.u32  }
0xa9: {  	s1 =	rddreg [dreg:$0x1];
	p0 =	sne.s32 s2, $0x0  }
0xaa: {  	s3 =	rddreg [dreg:$0x2];
	[bflag:$0x3] =	sbarrier.arrive $0xFFFF;
	s2 =	simm.s32 @!p0 $0x1C03  }
0xab: {  	[timem:s3], [sflag:s2] =	dma.local @!p0 [hbm:s0], s1  }
0xac: {  	s0 =	simm.s32 @!p0 $0x3  }
0xad: {  	_ =	swait.ge @!p0 [sflag:s0], s1  }
0xae: {  	s1 =	ssub.s32 @!p0 $0x0, s1;
	[sflag:s0] =	ssyncset.done @!p0 $0x0  }
0xaf: {  	[sflag:s0] =	ssyncadd.s32 @!p0 s1  }
0xb0: {  	[bflag:$0x3] =	sbarrier.arrive $0xFFFF  }
0xb1: {  	_ =	shalt  }

// kernel: scatter_offload_async_start.1
scs
__scs_entry_jumppad:
0x0: {  	(pc) =	sbr.rel $0x88, $3  }
0x1: {  	(tag) =	ssettag $0x0;
	lr =	simm.s32 $0x1  }
0x2: {  	[smem:$0x3F96] =	sst lr;
	_ =	strace $0xD0000000  }
0x3: {  	_ = 	snop  }
0x4: {  	_ = 	snop  }
0x5: {  	_ = 	snop  }
0x6: {  	_ = 	snop  }
0x7: {  	_ = 	snop  }
__scs_overlays_trampoline_lowered:
0x8: {  	[smem:$0x3FA5] =	sst s0  }
0x9: {  	[smem:$0x3FA6] =	sst s1  }
0xa: {  	[smem:$0x3FA7] =	sst s2  }
0xb: {  	[smem:$0x3FA8] =	sst s3  }
0xc: {  	[smem:$0x3FA9] =	sst s4  }
0xd: {  	[smem:$0x3FAA] =	sst s5  }
0xe: {  	[smem:$0x3FAB] =	sst s6  }
0xf: {  	[smem:$0x3FAC] =	sst s7  }
0x10: {  	[smem:$0x3FAD] =	sst s8  }
0x11: {  	[smem:$0x3FAE] =	sst s9;
	s0 =	simm.s32 @!p0 $0x0  }
0x12: {  	s1 =	sld [smem:$0x3F94];
	s0 =	simm.s32 @p0 $0x1  }
0x13: {  	[smem:$0x3FAF] =	sst s0;
	s0 =	simm.s32 @!p1 $0x0  }
0x14: {  	s2 =	sld [smem:$0x3F93];
	s0 =	simm.s32 @p1 $0x1  }
0x15: {  	[smem:$0x3FB0] =	sst s0;
	s0 =	simm.s32 @!p2 $0x0  }
0x16: {  	s3 =	sld [smem:$0x3FDB];
	s0 =	simm.s32 @p2 $0x1  }
0x17: {  	s4 =	simm.s32 $0x1BF5;
	[smem:$0x3FB2] =	sst s0  }
0x18: {  	s0 =	sld [smem:$0x3F95];
	_ =	swait.ge [sflag:s4], $0x0  }
0x19: {  	s7 =	sld [smem:$0x3F96]  }
0x1a: {  	s8 =	sadd.s32 $0xFFFFE003, lr  }
0x1b: {  	s9 =	sadd.s32 $0xFFFFFEF7, lr;
	s5 =	simm.s32 $0xFFFFFFFF;
	p2 =	slt.u32 s8, $0xFFFFF086  }
0x1c: {  	p1 =	slt.u32 s9, $0xF7A;
	s5 =	simm.s32 @!p2 $0x0  }
0x1d: {  	s5 =	simm.s32 @p1 $0x1;
	p0 =	seq.s32 s7, s2  }
0x1e: {  	s7 =	smul.u32 @!p0 $0xF7A, s2;
	p2 =	seq.s32 @!p0 s5, $0x0  }
0x1f: {  	s9 =	smul.u32 $0xF7A, s1;
	s8 =	simm.s32 @!p0 $0x1BF5;
	p2 =	por !p2, p0  }
0x20: {  	[sflag:s8] =	ssyncset.s32 @!p0 $0xFFFFF086;
	s6 =	sadd.s32 @!p0 s3, s7;
	s7 =	simm.s32 @!p0 $0x108  }
0x21: {  	s3 =	sadd.s32 s3, s9;
	s6 =	sadd.s32 @!p0 $0x88, s6;
	s7 =	simm.s32 @p2 $0x1082  }
0x22: {  	[simem:s7], [sflag:s8] =	dma.local @!p0 [hbm:s6], $0xF7A  }
0x23: {  	s9 =	sor.u32 $0xD0000000, s2;
	s6 =	simm.s32 $0x108;
	_ =	swait.ge @!p0 [sflag:s8], $0x0  }
0x24: {  	s3 =	sadd.s32 $0x88, s3;
	s6 =	simm.s32 @!p1 $0x1082;
	[sflag:s4] =	ssyncset.s32 $0xFFFFF086  }
0x25: {  	[simem:s6], [sflag:s4] =	dma.local [hbm:s3], $0xF7A  }
0x26: {  	[smem:$0x3F96] =	sst s1;
	(tag) =	ssettag s2;
	_ =	strace s9  }
0x27: {  	s1 =	sld [smem:$0x3FA6]  }
0x28: {  	s2 =	sld [smem:$0x3FA7]  }
0x29: {  	s4 =	sld [smem:$0x3FA9]  }
0x2a: {  	p0 =	seq.s32 s5, $0x0;
	s5 =	sld [smem:$0x3FAA]  }
0x2b: {  	s6 =	sld [smem:$0x3FAB]  }
0x2c: {  	s7 =	sld [smem:$0x3FAC]  }
0x2d: {  	s3 =	simm.s32 $0x108;
	s8 =	sld [smem:$0x3FAD]  }
0x2e: {  	s3 =	simm.s32 @!p0 $0x1082;
	s9 =	sld [smem:$0x3FAE]  }
0x2f: {  	lr =	sadd.s32 s0, s3;
	s0 =	sld [smem:$0x3FA5]  }
0x30: {  	s3 =	sld [smem:$0x3FA8]  }
0x31: {  	[smem:$0x3FB1] =	sst s10  }
0x32: {  	s10 =	sld [smem:$0x3FAF];
	_ =	sdelay $0x3  }
0x33: {  	p0 =	seq.s32 s10, $0x1;
	s10 =	sld [smem:$0x3FB1];
	_ =	sdelay $0x3  }
0x34: {  	[smem:$0x3FB1] =	sst s10  }
0x35: {  	s10 =	sld [smem:$0x3FB0];
	_ =	sdelay $0x3  }
0x36: {  	p1 =	seq.s32 s10, $0x1;
	s10 =	sld [smem:$0x3FB1];
	_ =	sdelay $0x3  }
0x37: {  	[smem:$0x3FB1] =	sst s10  }
0x38: {  	s10 =	sld [smem:$0x3FB2]  }
0x39: {  	_ = 	snop;
	(pc) =	sbr.ind lr, $3  }
0x3a: {  	_ = 	snop  }
0x3b: {  	_ = 	snop  }
0x3c: {  	p2 =	seq.s32 s10, $0x1;
	s10 =	sld [smem:$0x3FB1]  }
0x3d: {  	_ =	shalt  }
0x3e: {  	_ =	shalt  }
0x3f: {  	_ =	shalt  }
0x40: {  	_ =	shalt  }
0x41: {  	_ =	shalt  }
0x42: {  	_ =	shalt  }
0x43: {  	_ =	shalt  }
0x44: {  	_ =	shalt  }
0x45: {  	_ =	shalt  }
0x46: {  	_ =	shalt  }
0x47: {  	_ =	shalt  }
0x48: {  	_ =	shalt  }
0x49: {  	_ =	shalt  }
0x4a: {  	_ =	shalt  }
0x4b: {  	_ =	shalt  }
0x4c: {  	_ =	shalt  }
0x4d: {  	_ =	shalt  }
0x4e: {  	_ =	shalt  }
0x4f: {  	_ =	shalt  }
0x50: {  	_ =	shalt  }
0x51: {  	_ =	shalt  }
0x52: {  	_ =	shalt  }
0x53: {  	_ =	shalt  }
0x54: {  	_ =	shalt  }
0x55: {  	_ =	shalt  }
0x56: {  	_ =	shalt  }
0x57: {  	_ =	shalt  }
0x58: {  	_ =	shalt  }
0x59: {  	_ =	shalt  }
0x5a: {  	_ =	shalt  }
0x5b: {  	_ =	shalt  }
0x5c: {  	_ =	shalt  }
0x5d: {  	_ =	shalt  }
0x5e: {  	_ =	shalt  }
0x5f: {  	_ =	shalt  }
0x60: {  	_ =	shalt  }
0x61: {  	_ =	shalt  }
0x62: {  	_ =	shalt  }
0x63: {  	_ =	shalt  }
0x64: {  	_ =	shalt  }
0x65: {  	_ =	shalt  }
0x66: {  	_ =	shalt  }
0x67: {  	_ =	shalt  }
0x68: {  	_ =	shalt  }
0x69: {  	_ =	shalt  }
0x6a: {  	_ =	shalt  }
0x6b: {  	_ =	shalt  }
0x6c: {  	_ =	shalt  }
0x6d: {  	_ =	shalt  }
0x6e: {  	_ =	shalt  }
0x6f: {  	_ =	shalt  }
0x70: {  	_ =	shalt  }
0x71: {  	_ =	shalt  }
0x72: {  	_ =	shalt  }
0x73: {  	_ =	shalt  }
0x74: {  	_ =	shalt  }
0x75: {  	_ =	shalt  }
0x76: {  	_ =	shalt  }
0x77: {  	_ =	shalt  }
0x78: {  	_ =	shalt  }
0x79: {  	_ =	shalt  }
0x7a: {  	_ =	shalt  }
0x7b: {  	_ =	shalt  }
0x7c: {  	_ =	shalt  }
0x7d: {  	_ =	shalt  }
0x7e: {  	_ =	shalt  }
0x7f: {  	_ =	shalt  }
0x80: {  	_ =	shalt  }
0x81: {  	_ =	shalt  }
0x82: {  	_ =	shalt  }
0x83: {  	_ =	shalt  }
0x84: {  	_ =	shalt  }
0x85: {  	_ =	shalt  }
0x86: {  	_ =	shalt  }
0x87: {  	_ =	shalt  }
.Lfunc_end0:
.L_simem_size_0:
called_computation.1_lowered:
.L_overlay_start_0:
0x88: {  	s2 =	sld [smem:$0x3FD9]  }
0x89: {  	s3 =	sld [smem:$0x3FFE];
	_ =	sdelay $0x1  }
0x8a: {  	s1 =	srdreg.scid  }
0x8b: {  	s0 =	sand.u32 $0x1, s1  }
0x8c: {  	s17 =	sshll.u32 s0, $0xA;
	s2 =	sadd.s32 s3, s2  }
0x8d: {  	s2 =	sadd.s32 s2, s17  }
0x8e: {  	[smem:$0x3FBD] =	sst s2  }
0x8f: {  	_ = 	snop  }
0x90: {  	s18 =	sld [smem:$0x3FC9]  }
0x91: {  	s4 =	sld [smem:$0x3FD0];
	(tm) =	ssettm $0x1  }
0x92: {  	s19 =	sld [smem:$0x3FFB];
	_ =	sdelay $0x3  }
0x93: {  	_ =	strace s19  }
0x94: {  	s2 =	sld [smem:$0x3FFC];
	_ =	sdelay $0x3  }
0x95: {  	_ =	strace s2  }
0x96: {  	s2 =	sld [smem:$0x3FFD];
	_ =	sdelay $0x3  }
0x97: {  	_ =	strace s2  }
0x98: {  	_ =	strace $0x8FFFFFFF  }
0x99: {  	s20 =	sld [smem:$0x3FDB];
	_ =	sdelay $0x1  }
0x9a: {  	s5 =	simm.s32 $_scs_section_size  }
0x9b: {  	s6 =	simm.s32 $_size__tile_overlayer_lowered;
	s7 =	simm.s32 $_tile_overlayer_lowered  }
0x9c: {  	s8 =	simm.s32 $0x1BFF;
	s21 =	sshll.u32 s7, $0x1;
	s5 =	sadd.s32 s5, s20  }
0x9d: {  	s22 =	simm.s32 $0x0;
	s6 =	sshll.u32 s6, $0x1;
	s7 =	sadd.s32 s21, s5  }
0x9e: {  	[timem:s22], [sflag:s8] =	dma.local [hbm:s7], s6  }
0x9f: {  	_ =	swait.ge [sflag:s8], s6  }
0xa0: {  	s6 =	ssub.s32 $0x0, s6;
	[sflag:s8] =	ssyncset.done $0x0  }
0xa1: {  	[sflag:s8] =	ssyncadd.s32 s6;
	_ =	sdelay $0x1  }
0xa2: {  	s23 =	simm.s32 $0x1B8B  }
0xa3: {  	_ =	swait.ge [sflag:s23], $0x1  }
0xa4: {  	[sflag:s23] =	ssyncset.done $0x0  }
0xa5: {  	[sflag:s23] =	ssyncadd.s32 $0xFFFFFFFF  }
0xa6: {  	s6 =	sld [smem:$0x0]  }
0xa7: {  	s7 =	sand.u32 $0xFFFFFFFE, s1  }
0xa8: {  	p0 =	sne.s32 s1, s7  }
0xa9: {  	s7 =	sshll.u32 @p0 s7, $0xE  }
0xaa: {  	s7 =	sadd.s32 @p0 $0x11B8D, s7;
	s8 =	sshll.u32 @p0 s6, $0x11  }
0xab: {  	s7 =	sor.u32 @p0 s8, s7  }
0xac: {  	[sflag:s7] =	ssyncadd.remote.s32 @p0 $0x1;
	_ =	sdelay $0x1  }
0xad: {  	s7 =	simm.s32 @p0 $0x1B8D  }
0xae: {  	_ =	swait.eq @p0 [sflag:s7], $0x1  }
0xaf: {  	[sflag:s7] =	ssyncadd.s32 @p0 $0xFFFFFFFF  }
0xb0: {  	s8 =	sshll.u32 @!p0 s1, $0xE  }
0xb1: {  	s8 =	sor.u32 @!p0 $0x4000, s8;
	s7 =	simm.s32 @!p0 $0x1B8D  }
0xb2: {  	s9 =	sshll.u32 @!p0 s6, $0x11;
	s8 =	sadd.s32 @!p0 $0x11B8D, s8;
	_ =	swait.eq @!p0 [sflag:s7], $0x1  }
0xb3: {  	[sflag:s7] =	ssyncadd.s32 @!p0 $0xFFFFFFFF;
	s7 =	sor.u32 @!p0 s9, s8  }
0xb4: {  	s25 =	simm.s32 $0x1B8E;
	s24 =	sld [smem:$0x3FFE];
	[sflag:s7] =	ssyncadd.remote.s32 @!p0 $0x1  }
0xb5: {  	s26 =	simm.s32 $execute0_lowered;
	[smem:$0x3FD2] =	sst s25  }
0xb6: {  	s8 =	sshll.u32 s26, $0x1;
	_ =	strace $0x80000049;
	[dreg:$0x1] =	wrdreg $0xFFFFFFFF  }
0xb7: {  	s28 =	simm.s32 $_size_execute0_lowered;
	s5 =	sadd.s32 s5, s8;
	[dreg:$0x0] =	wrdreg $0x0  }
0xb8: {  	s8 =	sshll.u32 s28, $0x1;
	[dreg:$0x2] =	wrdreg s5  }
0xb9: {  	[dreg:$0x3] =	wrdreg s8  }
0xba: {  	[dreg:$0x4] =	wrdreg $0xC0  }
0xbb: {  	_ =	task [dreg:s22], $0x5FFFF  }
0xbc: {  	[dreg:$0x1] =	wrdreg $0xFFFFFFFF  }
0xbd: {  	[dreg:$0x0] =	wrdreg $0x60  }
0xbe: {  	[dreg:$0x2] =	wrdreg s4  }
0xbf: {  	[dreg:$0x3] =	wrdreg s24  }
0xc0: {  	[dreg:$0x4] =	wrdreg s18  }
0xc1: {  	[dreg:$0x5] =	wrdreg s1  }
0xc2: {  	[dreg:$0x6] =	wrdreg s6  }
0xc3: {  	[dreg:$0x7] =	wrdreg $0xA  }
0xc4: {  	_ =	task.clear_ibuf [dreg:s22], $0x8FFFF;
	_ =	strace $0x90000049  }
0xc5: {  	s29 =	simm.s32 $0xA;
	_ =	strace $0x8000004B  }
0xc6: {  	_ =	swait.ge [sflag:s29], $0x1  }
0xc7: {  	[sflag:s29] =	ssyncadd.s32 $0xFFFFFFFF  }
0xc8: {  	_ =	strace $0x9000004B  }
0xc9: {  	_ =	sfence  }
0xca: {  	s30 =	sld [smem:$0x0];
	_ =	sdelay $0x2  }
0xcb: {  	s31 =	sshll.u32 s1, $0xD;
	s1 =	sshrl.u32 s1, $0x2  }
0xcc: {  	s4 =	sand.u32 $0x4000, s31;
	s1 =	sadd.s32 s1, s30  }
0xcd: {  	s0 =	sor.u32 s4, s0;
	s1 =	sshll.u32 s1, $0x11  }
0xce: {  	s0 =	sor.u32 s1, s0  }
0xcf: {  	s0 =	sadd.s32 $0x8F2B, s0  }
0xd0: {  	[sflag:s0] =	ssyncadd.remote.s32 $0x1  }
0xd1: {  	_ =	sfence.sel $0xFFFF  }
0xd2: {  	[dreg:$0x0] =	wrdreg $0xFFFFFFFF;
	(pc) =	sbr.abs _section_cstart, $3  }
0xd3: {  	[dreg:$0x1] =	wrdreg $0xFFFFFFFF  }
0xd4: {  	_ =	task.clear_ibuf [dreg:s22], $0x2FFFF;
	_ =	strace $0x9FFFFFFF  }
0xd5: {  	(tm) =	ssettm $0x7FFFFFFF  }
tec
execute0_lowered:
.L_overlay_start_1:
0x0: {  	(tag) =	ssettag $0x1  }
0x1: {  	s1 =	rddreg [dreg:$0x0]  }
0x2: {  	s2 =	rddreg [dreg:$0x1]  }
0x3: {  	s9 =	rddreg [dreg:$0x2]  }
0x4: {  	s3 =	rddreg [dreg:$0x3];
	_ =	strace $0x8000004A;
	s0 =	simm.s32 $0x1  }
0x5: {  	v0 =	vimm.s32 $0x0;
	[sflag:s0] =	ssyncpa.u1 $0x0;
	s0 =	simm.s32 $0x108  }
0x6: {  	[tilespmem:s0+$0x70] =	vst v0  }
0x7: {  	[tilespmem:s0+$0x60] =	vst v0  }
0x8: {  	[tilespmem:s0+$0x50] =	vst v0  }
0x9: {  	[tilespmem:s0+$0x40] =	vst v0  }
0xa: {  	[tilespmem:s0+$0x30] =	vst v0  }
0xb: {  	s15 =	sadd.s32 $0xE00, s2;
	[tilespmem:s0+$0x20] =	vst v0  }
0xc: {  	s14 =	sadd.s32 $0x10400, s2;
	s5 =	sand.u32 $0x1, s3;
	s3 =	simm.s32 $0x40;
	[tilespmem:s0+$0x10] =	vst v0  }
.LBB2_1:
0xd: {  	s3 =	sadd.s32 $0x40, s3;
	[tilespmem:s0+$0x0] =	vst v0;
	s0 =	sadd.s32 $0x80, s0  }
0xe: {  	p0 =	slt.u32 s3, $0x3C40;
	[tilespmem:s0+$0x70] =	vst v0  }
0xf: {  	[tilespmem:s0+$0x60] =	vst v0  }
.Ltmp0:
0x10: {  	[tilespmem:s0+$0x50] =	vst v0;
	(pc) =	sbr.rel @p0 .LBB2_1-.Ltmp0, $4  }
0x11: {  	[tilespmem:s0+$0x40] =	vst v0  }
0x12: {  	[tilespmem:s0+$0x30] =	vst v0  }
0x13: {  	[tilespmem:s0+$0x20] =	vst v0  }
0x14: {  	[tilespmem:s0+$0x10] =	vst v0  }
0x15: {  	s6 =	stileid.u32  }
0x16: {  	s2 =	smul.u32 $0x41, s6  }
0x17: {  	s3 =	smin.u32 s6, $0x2  }
0x18: {  	s2 =	sadd.s32 s3, s2  }
0x19: {  	p0 =	slt.u32 s6, $0x2;
	s7 =	smul.u32 $0xF0, s2;
	s2 =	simm.s32 $0x3DE0  }
0x1a: {  	s2 =	simm.s32 @!p0 $0x3CF0  }
0x1b: {  	s2 =	sadd.s32 s2, s7  }
0x1c: {  	s8 =	smin.u32 s2, $0x3D090  }
0x1d: {  	s2 =	ssub.s32 s8, s7  }
0x1e: {  	p0 =	sgt.s32 s2, $0x0  }
0x1f: {  	s29 =	simm.s32 $0x2;
	s10 =	simm.s32 $0x9;
	s2 =	simm.s32 @!p0 $0x0  }
0x20: {  	s4 =	simm.s32 $0xA;
	s11 =	simm.s32 $0xB;
	s28 =	smulhi.u32 $0x88888889, s2  }
0x21: {  	[dreg:$0x6] =	wrdreg s5;
	s31 =	smul.u32 $0x7A12, s5;
	s12 =	simm.s32 $0x1  }
0x22: {  	s22 =	simm.s32 $0x0;
	s18 =	simm.s32 $0xC;
	s30 =	sshrl.u32 s28, $0x7  }
0x23: {  	s20 =	simm.s32 $0x0;
	s21 =	simm.s32 $0x0;
	s3 =	smul.u32 $0xF0, s30  }
.Ltmp1:
0x24: {  	[tilespmem:s0+$0x0] =	vst v0;
	v0 =	vimm.s32 $0xFFFFFFFF;
	[sflag:s29] =	ssyncpa.u1 $0x0;
	s16 =	sshll.u32 s6, $0x8;
	(pc) =	sbr.rel .LBB2_3-.Ltmp1, $4  }
0x25: {  	[tilespmem:$0xF208] =	vst v0;
	[sflag:s10] =	ssyncpa.u1 $0x0;
	p0 =	sne.s32 s2, s3;
	s2 =	simm.s32 $0x1  }
0x26: {  	s14 =	sadd.s32 s31, s14;
	[sflag:s4] =	ssyncpa.u1 $0x0;
	s2 =	simm.s32 @!p0 $0x0  }
0x27: {  	s15 =	sadd.s32 s31, s15;
	[sflag:s11] =	ssyncpa.u1 $0x0;
	s13 =	sadd.s32 s2, s30  }
0x28: {  	v0 =	vlaneseq.u32;
	s19 =	smov.u32 s7;
	p0 =	por $0x0, $0x0;
	s17 =	sadd.s32 $0x1, s13  }
.LBB2_18:
0x29: {  	s0 =	sshrl.u32 s31, $0x2  }
.LBB2_20:
0x2a: {  	_ =	swait.ge [sflag:s18], s0  }
0x2b: {  	s31 =	ssub.s32 $0x0, s0;
	v1 =	vmov s24;
	vm0 =	veq.s32 v0, $0x0;
	[sflag:s18] =	ssyncset.done $0x0  }
0x2c: {  	vm15 =	veq.s32 v0, $0x2;
	v1 =	vsel vm0, s30, v1;
	[sflag:s18] =	ssyncadd.s32 s31  }
0x2d: {  	v1 =	vsel vm15, s22, v1;
	[sflag:s18] =	ssyncpa.u1 $0x1  }
0x2e: {  	[tilespmem:$0xF208] =	vst v1  }
.LBB2_21:
0x2f: {  	s0 =	sadd.s32 $0xF0, s19  }
0x30: {  	s2 =	smov.u32 s7;
	p1 =	slt.s32 s0, s8  }
0x31: {  	s2 =	smov.u32 @p1 s0;
	p1 =	sne.s32 s21, s17  }
.Ltmp2:
0x32: {  	_ = 	snop;
	(pc) =	sbr.rel @!p1 .LBB2_22-.Ltmp2, $3  }
0x33: {  	_ =	sdelay $0x1  }
0x34: {  	s22 =	smov.u32 s20;
	s31 =	sadd.s32 $0x1, s21;
	s20 =	smov.u32 s19  }
0x35: {  	p0 =	por !p0, !p0;
	s21 =	smov.u32 s31;
	s19 =	smov.u32 s2  }
.LBB2_3:
0x36: {  	p1 =	sge.u32 s21, s13  }
0x37: {  	s0 =	smulhi.u32 @!p1 $0xAAAAAAAB, s21  }
0x38: {  	s2 =	smov.u32 s19;
	p2 =	sgt.s32 @!p1 s19, $0x3CFA0  }
0x39: {  	s3 =	sshra.s32 @!p1 s19, $0x1F;
	p2 =	por !p2, p1;
	s0 =	sshrl.u32 @!p1 s0, $0x1  }
0x3a: {  	s3 =	sand.u32 @!p1 s3, s19;
	s2 =	simm.s32 @p2 $0x3CFA0;
	s0 =	smul.u32 @!p1 $0x3, s0  }
0x3b: {  	s2 =	ssub.s32 @!p1 s2, s3  }
0x3c: {  	s2 =	sadd.s32 @!p1 $0xFFFC3060, s2;
	s0 =	ssub.s32 @!p1 s21, s0  }
0x3d: {  	s3 =	sshll.u32 @!p1 s2, $0x2;
	p2 =	sgt.s32 @!p1 s2, $0xEF;
	s0 =	smul.u32 @!p1 $0x3C0, s0  }
0x3e: {  	s4 =	sand.u32 @!p1 $0x7, s19;
	s2 =	ssub.s32 @!p1 $0x3C0, s3;
	p2 =	por !p2, p1  }
0x3f: {  	s3 =	sshrl.u32 @!p1 s19, $0x3;
	s2 =	sshrl.u32 @!p1 s2, $0x2;
	s0 =	sshrl.u32 @!p1 s0, $0x2  }
0x40: {  	s3 =	sadd.s32 @!p1 s3, s14;
	s2 =	simm.s32 @!p2 $0x0;
	s0 =	sadd.s32 @!p1 $0x10248, s0  }
0x41: {  	[tilespmem:s0], [sflag:$0xA] =	stream.linear.gather @!p1 [hbm4b:s3+s4], s2, $0x38;
	[tilespmem:$0x1F6F8] =	vst v63  }
0x42: {  	s0 =	sadd.s32 $0xFFFFFFFF, s21  }
0x43: {  	p1 =	sge.u32 s0, s13  }
0x44: {  	p2 =	sgt.s32 @!p1 s20, $0x3CFA0  }
0x45: {  	s2 =	smov.u32 s20;
	s3 =	sshra.s32 @!p1 s20, $0x1F;
	p2 =	por !p2, p1  }
0x46: {  	s3 =	sand.u32 @!p1 s3, s20;
	s2 =	simm.s32 @p2 $0x3CFA0  }
0x47: {  	s2 =	ssub.s32 @!p1 s2, s3  }
0x48: {  	s2 =	sadd.s32 @!p1 $0xFFFC3060, s2  }
0x49: {  	s4 =	sand.u32 @!p1 $0x1, s0;
	s3 =	sshll.u32 @!p1 s2, $0x2  }
0x4a: {  	p2 =	sgt.s32 @!p1 s2, $0xEF;
	s2 =	ssub.s32 @!p1 $0x3C0, s3;
	s3 =	smulhi.u32 @!p1 $0xAAAAAAAB, s0  }
0x4b: {  	s23 =	smul.u32 @!p1 $0x3C0, s4;
	p2 =	por !p2, p1;
	s2 =	sshrl.u32 @!p1 s2, $0x2  }
0x4c: {  	s5 =	simm.s32 @!p1 $0xA;
	s2 =	simm.s32 @!p2 $0x0;
	s3 =	sshrl.u32 @!p1 s3, $0x1  }
0x4d: {  	s23 =	sshrl.u32 @!p1 s23, $0x2;
	_ =	swait.ge @!p1 [sflag:s5], s2;
	s3 =	smul.u32 @!p1 $0x3, s3  }
0x4e: {  	s23 =	sadd.s32 @!p1 $0x10518, s23;
	s24 =	ssub.s32 @!p1 $0x0, s2;
	[sflag:s5] =	ssyncset.done @!p1 $0x0  }
0x4f: {  	[sflag:s5] =	ssyncadd.s32 @!p1 s24;
	s5 =	sshrl.u32 @!p1 s20, $0x3;
	s0 =	ssub.s32 @!p1 s0, s3  }
0x50: {  	s24 =	sand.u32 @!p1 $0x7, s20;
	s5 =	sadd.s32 @!p1 s5, s15;
	s0 =	smul.u32 @!p1 $0x3C0, s0  }
0x51: {  	[tilespmem:s23], [sflag:$0xB] =	stream.linear.gather @!p1 [hbm4b:s5+s24], s2, $0x38;
	[tilespmem:$0x1F6F8] =	vst v63  }
0x52: {  	s3 =	ssub.s32 @!p1 $0x3D090, s20;
	s2 =	smul.u32 @!p1 $0x1E000, s4  }
0x53: {  	p2 =	slt.s32 @!p1 s3, $0xF0  }
0x54: {  	p2 =	por !p2, p1;
	s0 =	sshrl.u32 @!p1 s0, $0x2;
	s2 =	sshrl.u32 @!p1 s2, $0x2  }
0x55: {  	s3 =	simm.s32 @p2 $0xF0;
	s0 =	sadd.s32 @!p1 $0x10248, s0;
	s2 =	sor.u32 @!p1 $0x106F8, s2  }
0x56: {  	[tilespmem:s2], [sflag:$0x9] =	stream.indirect.gather @!p1 [hbm4b:s9+s3], $0x80, s0, s3, $0xb8;
	[tilespmem:$0x1F6F8] =	vst v63  }
0x57: {  	p1 =	slt.u32 s21, $0x2  }
.Ltmp3:
0x58: {  	_ = 	snop;
	(pc) =	sbr.rel @p1 .LBB2_21-.Ltmp3, $1  }
0x59: {  	_ =	sdelay $0x3  }
0x5a: {  	p1 =	sgt.s32 s22, $0x3CFA0  }
0x5b: {  	s0 =	smov.u32 s22;
	s2 =	sshra.s32 s22, $0x1F;
	s3 =	ssub.s32 $0x3D090, s22  }
0x5c: {  	s0 =	simm.s32 @!p1 $0x3CFA0;
	s2 =	sand.u32 s2, s22;
	p1 =	slt.s32 s3, $0xF0  }
0x5d: {  	s0 =	ssub.s32 s0, s2;
	s3 =	simm.s32 @!p1 $0xF0  }
0x5e: {  	s0 =	sadd.s32 $0xFFFC3060, s0;
	s25 =	sshll.u32 s3, $0x7  }
0x5f: {  	s26 =	sshll.u32 s0, $0x2;
	s2 =	sand.u32 $0x3FFFFF80, s25  }
0x60: {  	p1 =	sgt.s32 s0, $0xEF;
	s29 =	ssub.s32 $0x3C0, s26;
	_ =	swait.ge [sflag:s10], s2  }
0x61: {  	s2 =	ssub.s32 $0x0, s2;
	[sflag:s10] =	ssyncset.done $0x0;
	s0 =	sshrl.u32 s29, $0x2  }
0x62: {  	[sflag:s10] =	ssyncadd.s32 s2;
	s0 =	simm.s32 @p1 $0x0  }
0x63: {  	_ =	swait.ge [sflag:s11], s0  }
0x64: {  	s0 =	ssub.s32 $0x0, s0;
	[sflag:s11] =	ssyncset.done $0x0  }
0x65: {  	[sflag:s11] =	ssyncadd.s32 s0  }
0x66: {  	v1 =	vld [tilespmem:$0xF208];
	_ =	sdelay $0x4  }
0x67: {  	(v2sf) =	vpush v1, $0x0  }
0x68: {  	(v2sf) =	vpush v1, $0x1  }
0x69: {  	(v2sf) =	vpush v1, $0x2;
	_ =	sdelay $0x3  }
0x6a: {  	s0 =	sadd.s32 $0xF0, s22  }
0x6b: {  	s2 =	ssub.s32 $0x7A120, s22;
	p1 =	slt.s32 s8, s0  }
0x6c: {  	s0 =	smov.u32 @p1 s8;
	p1 =	sgt.s32 s2, $0x0  }
0x6d: {  	s26 =	ssub.s32 s0, s22;
	s2 =	simm.s32 @!p1 $0x0  }
0x6e: {  	p1 =	slt.s32 s2, s26  }
0x6f: {  	s26 =	smov.u32 @p1 s2  }
0x70: {  	s25 =	simm.s32 $0x1;
	p1 =	slt.s32 s26, $0x1  }
.Ltmp4:
0x71: {  	s25 =	simm.s32 @!p0 $0x0;
	(pc) =	sbr.rel @p1 .LBB2_8-.Ltmp4, $4  }
0x72: {  	s31 =	smul.u32 $0x3C0, s25  }
0x73: {  	s28 =	spop (v2sf)  }
0x74: {  	s0 =	sshrl.u32 s31, $0x2;
	s30 =	spop (v2sf)  }
0x75: {  	s23 =	sadd.s32 $0x10518, s0;
	s22 =	spop (v2sf)  }
0x76: {  	s0 =	smin.u32 s26, $0x10  }
0x77: {  	v1 =	vmov s0  }
0x78: {  	p2 =	sgt.s32 s26, $0x10;
	vm1 =	vgt.u32 v1, v0  }
.Ltmp5:
0x79: {  	_ = 	snop;
	(pc) =	sbr.rel @!p2 .LBB2_7-.Ltmp5, $2  }
0x7a: {  	_ =	sdelay $0x2  }
0x7b: {  	s4 =	simm.s32 $0x10;
	s24 =	sadd.s32 $0xFFFFFFF0, s26;
	s0 =	smov.u32 s23;
	vm0 =	vmmov vm1  }
.LBB2_6:
0x7c: {  	s2 =	smin.u32 s24, $0x10;
	s4 =	sadd.s32 $0x10, s4;
	v1 =	vld.msk [tilespmem:s0+$0x0 ss:$0x1], vm1  }
0x7d: {  	v2 =	vmov s2;
	p2 =	slt.s32 s4, s26  }
0x7e: {  	vm1 =	vgt.u32 v2, v0  }
.Ltmp6:
0x7f: {  	(pc) =	sbr.rel @p2 .LBB2_6-.Ltmp6, $3  }
0x80: {  	_ =	sdelay $0x1  }
0x81: {  	v1 =	vshll.u32 v1, $0x4  }
0x82: {  	s24 =	sadd.s32 $0xFFFFFFF0, s24;
	[tilespmem:s0+$0x0] =	vst.msk vm0, v1;
	s0 =	sadd.s32 $0x10, s0;
	vm0 =	vmmov vm1  }
.LBB2_7:
0x83: {  	_ =	sdelay $0x4  }
0x84: {  	v1 =	vld.msk [tilespmem:s0+$0x0 ss:$0x1], vm1;
	_ =	sdelay $0x4  }
0x85: {  	v1 =	vshll.u32 v1, $0x4  }
0x86: {  	[tilespmem:s0+$0x0] =	vst.msk vm0, v1  }
.LBB2_8:
0x87: {  	s0 =	sand.u32 $0x1, s21  }
0x88: {  	s0 =	smul.u32 $0xF0, s0  }
0x89: {  	p2 =	sne.s32 s30, $0xFFFFFFFF  }
0x8a: {  	v1 =	vld.msk @!p2 [tilespmem:s0+$0x10518], $0x1;
	_ =	sdelay $0x4  }
0x8b: {  	(v2sf) =	vpush @!p2 v1, $0x0;
	_ =	sdelay $0xc  }
.Ltmp7:
0x8c: {  	_ = 	snop;
	(pc) =	sbr.rel @p1 .LBB2_19-.Ltmp7, $4  }
0x8d: {  	_ = 	snop  }
0x8e: {  	s29 =	spop @!p2 (v2sf)  }
0x8f: {  	s22 =	simm.s32 @!p2 $0x0;
	s24 =	smov.u32 s29  }
0x90: {  	[sflag:s18] =	ssyncpa.u1 $0x0;
	s29 =	smov.u32 @p2 s28;
	s24 =	smov.u32 @p2 s30  }
0x91: {  	v1 =	vld.msk [tilespmem:s23+$0x0], $0x1;
	_ =	sdelay $0x4  }
0x92: {  	(v2sf) =	vpush v1, $0x0;
	_ =	sdelay $0xe  }
0x93: {  	s2 =	smul.u32 $0x1E000, s25;
	s0 =	spop (v2sf)  }
0x94: {  	s26 =	ssub.s32 $0x0, s26;
	p1 =	seq.s32 s29, s0  }
0x95: {  	s30 =	sadd.s32 $0x1, s26;
	s2 =	sshrl.u32 s2, $0x2;
	p2 =	sgt.s32 @!p1 s29, $0x0  }
0x96: {  	s25 =	sor.u32 $0x10738, s2;
	s2 =	smov.u32 s29;
	p2 =	por !p2, p1  }
0x97: {  	s2 =	simm.s32 @p2 $0x0;
	p2 =	seq.s32 s30, $0x0  }
.Ltmp8:
0x98: {  	_ = 	snop;
	(pc) =	sbr.rel @p2 .LBB2_11-.Ltmp8, $4  }
0x99: {  	_ = 	snop  }
0x9a: {  	s28 =	simm.s32 $0x0;
	s31 =	sadd.s32 $0x1, s23;
	s2 =	smin.u32 @!p1 s2, $0xC37F0  }
0x9b: {  	s4 =	simm.s32 @!p1 $0x1;
	s5 =	simm.s32 @!p1 $0x7988;
	s3 =	sand.u32 @!p1 $0xFFFF8, s2  }
0x9c: {  	s4 =	smov.u32 @p1 s28;
	s2 =	sand.u32 @!p1 $0x7, s2;
	s3 =	sadd.s32 @!p1 s1, s3  }
.LBB2_10:
0x9d: {  	s6 =	smov.u32 s4  }
0x9e: {  	[tilespmem:s5], [sflag:$0x2] =	stream.linear.gather @!p1 [hbm4b:s3+s2], $0x80, $0x38;
	[tilespmem:$0x1F6F8] =	vst v63  }
0x9f: {  	s30 =	sadd.s32 $0x1, s30;
	s2 =	smov.u32 s0;
	v1 =	vld.msk [tilespmem:s31+$0x0], $0x1  }
0xa0: {  	p2 =	seq.s32 s30, $0x0;
	_ =	sdelay $0x3  }
0xa1: {  	(v2sf) =	vpush v1, $0x0;
	_ =	sdelay $0xe  }
0xa2: {  	s0 =	spop (v2sf)  }
0xa3: {  	p1 =	seq.s32 s2, s0  }
0xa4: {  	p3 =	sgt.s32 @!p1 s2, $0x0;
	s3 =	sshll.u32 @!p1 s4, $0x9;
	s4 =	sadd.s32 @!p1 $0x1, s4  }
.Ltmp9:
0xa5: {  	p3 =	por !p3, p1;
	s3 =	sshra.s32 @!p1 s3, $0x2;
	(pc) =	sbr.rel @!p2 .LBB2_10-.Ltmp9, $4  }
0xa6: {  	s4 =	smov.u32 @p1 s6;
	s2 =	simm.s32 @p3 $0x0;
	s5 =	sadd.s32 @!p1 $0x7988, s3  }
0xa7: {  	s2 =	smin.u32 @!p1 s2, $0xC37F0  }
0xa8: {  	s3 =	sand.u32 @!p1 $0xFFFF8, s2;
	s2 =	sand.u32 @!p1 $0x7, s2  }
0xa9: {  	s31 =	sadd.s32 $0x1, s31;
	s3 =	sadd.s32 @!p1 s1, s3  }
.LBB2_11:
0xaa: {  	[tilespmem:s5], [sflag:$0x2] =	stream.linear.gather @!p1 [hbm4b:s3+s2], $0x80, $0x38;
	[tilespmem:$0x1F6F8] =	vst v63  }
.Ltmp10:
0xab: {  	s0 =	sshll.u32 s4, $0x7;
	(pc) =	sbr.rel .LBB2_12-.Ltmp10, $4  }
0xac: {  	s30 =	simm.s32 $0x2;
	s0 =	sand.u32 $0x3FFFFF80, s0  }
0xad: {  	_ =	swait.ge [sflag:s30], s0  }
0xae: {  	s0 =	ssub.s32 $0x0, s0;
	[sflag:s30] =	ssyncset.done $0x0  }
0xaf: {  	s31 =	simm.s32 $0x0;
	[sflag:s30] =	ssyncadd.s32 s0  }
.LBB2_13:
0xb0: {  	v1 =	vld [tilespmem:s25+$0xFFFFFFC0];
	_ =	sdelay $0x3  }
0xb1: {  	s0 =	sshra.s32 s0, $0x2  }
0xb2: {  	[tilespmem:s0+$0x108] =	vst.add.f32.msk $0xffff, v1  }
0xb3: {  	v1 =	vld [tilespmem:s25+$0xFFFFFFD0];
	_ =	sdelay $0x4  }
0xb4: {  	[tilespmem:s0+$0x118] =	vst.add.f32.msk $0xffff, v1  }
0xb5: {  	v1 =	vld [tilespmem:s25+$0xFFFFFFE0];
	_ =	sdelay $0x4  }
0xb6: {  	[tilespmem:s0+$0x128] =	vst.add.f32.msk $0xffff, v1  }
0xb7: {  	v1 =	vld [tilespmem:s25+$0xFFFFFFF0];
	_ =	sdelay $0x4  }
0xb8: {  	[tilespmem:s0+$0x138] =	vst.add.f32.msk $0xffff, v1  }
0xb9: {  	v1 =	vld [tilespmem:s25+$0x0];
	_ =	sdelay $0x4  }
0xba: {  	[tilespmem:s0+$0x148] =	vst.add.f32.msk $0xffff, v1  }
0xbb: {  	v1 =	vld [tilespmem:s25+$0x10];
	_ =	sdelay $0x4  }
0xbc: {  	[tilespmem:s0+$0x158] =	vst.add.f32.msk $0xffff, v1  }
0xbd: {  	v1 =	vld [tilespmem:s25+$0x20];
	_ =	sdelay $0x4  }
0xbe: {  	[tilespmem:s0+$0x168] =	vst.add.f32.msk $0xffff, v1  }
0xbf: {  	v1 =	vld [tilespmem:s25+$0x30];
	_ =	sdelay $0x4  }
0xc0: {  	[tilespmem:s0+$0x178] =	vst.add.f32.msk $0xffff, v1  }
.LBB2_17:
0xc1: {  	s26 =	sadd.s32 $0x1, s26  }
0xc2: {  	p1 =	seq.s32 s26, $0x0  }
.Ltmp11:
0xc3: {  	_ = 	snop;
	(pc) =	sbr.rel @p1 .LBB2_18-.Ltmp11, $2  }
0xc4: {  	_ =	sdelay $0x2  }
0xc5: {  	s23 =	sadd.s32 $0x1, s23;
	s25 =	sadd.s32 $0x80, s25;
	s29 =	smov.u32 s30  }
.LBB2_12:
0xc6: {  	v1 =	vld.msk [tilespmem:s23+$0x0], $0x1;
	_ =	sdelay $0x4  }
0xc7: {  	(v2sf) =	vpush v1, $0x0;
	_ =	sdelay $0xe  }
0xc8: {  	s30 =	spop (v2sf)  }
0xc9: {  	p1 =	sne.s32 s29, s30  }
.Ltmp12:
0xca: {  	_ = 	snop;
	(pc) =	sbr.rel @!p1 .LBB2_13-.Ltmp12, $2  }
0xcb: {  	_ =	sdelay $0x2  }
0xcc: {  	s0 =	sshll.u32 s22, $0x9  }
0xcd: {  	p1 =	seq.s32 s29, s24  }
.Ltmp13:
0xce: {  	_ = 	snop;
	(pc) =	sbr.rel @!p1 .LBB2_15-.Ltmp13, $1  }
0xcf: {  	_ =	sdelay $0x3  }
0xd0: {  	s0 =	sshra.s32 s0, $0x2  }
.Ltmp14:
0xd1: {  	s0 =	sadd.s32 $0x108, s0;
	(pc) =	sbr.rel .LBB2_16-.Ltmp14, $4  }
0xd2: {  	[spmem:s16] =	stream.linear.scatter [tilespmem:s0], [sflag:$0x1], $0x80, $0x38;
	[tilespmem:$0x1F6F8] =	vst v63  }
0xd3: {  	_ =	swait.ge [sflag:s12], $0x80  }
0xd4: {  	[sflag:s12] =	ssyncset.done $0x0  }
0xd5: {  	[sflag:s12] =	ssyncadd.s32 $0xFFFFFF80  }
.LBB2_15:
0xd6: {  	s2 =	sshll.u32 s28, $0x9  }
0xd7: {  	s2 =	sshra.s32 s2, $0x2  }
0xd8: {  	v1 =	vld [tilespmem:s2+$0x7988];
	_ =	sdelay $0x3  }
0xd9: {  	s0 =	sshra.s32 s0, $0x2  }
0xda: {  	[tilespmem:s0+$0x108] =	vst.add.f32.msk $0xffff, v1  }
0xdb: {  	v1 =	vld [tilespmem:s2+$0x7998];
	_ =	sdelay $0x4  }
0xdc: {  	[tilespmem:s0+$0x118] =	vst.add.f32.msk $0xffff, v1  }
0xdd: {  	v1 =	vld [tilespmem:s2+$0x79A8];
	_ =	sdelay $0x4  }
0xde: {  	[tilespmem:s0+$0x128] =	vst.add.f32.msk $0xffff, v1  }
0xdf: {  	v1 =	vld [tilespmem:s2+$0x79B8];
	_ =	sdelay $0x4  }
0xe0: {  	[tilespmem:s0+$0x138] =	vst.add.f32.msk $0xffff, v1  }
0xe1: {  	v1 =	vld [tilespmem:s2+$0x79C8];
	_ =	sdelay $0x4  }
0xe2: {  	[tilespmem:s0+$0x148] =	vst.add.f32.msk $0xffff, v1  }
0xe3: {  	v1 =	vld [tilespmem:s2+$0x79D8];
	_ =	sdelay $0x4  }
0xe4: {  	[tilespmem:s0+$0x158] =	vst.add.f32.msk $0xffff, v1  }
0xe5: {  	v1 =	vld [tilespmem:s2+$0x79E8];
	_ =	sdelay $0x4  }
0xe6: {  	[tilespmem:s0+$0x168] =	vst.add.f32.msk $0xffff, v1  }
0xe7: {  	v1 =	vld [tilespmem:s2+$0x79F8];
	_ =	sdelay $0x2  }
0xe8: {  	p1 =	sgt.u32 s29, $0xC37F0  }
0xe9: {  	s2 =	sand.u32 @!p1 $0xFFFF8, s29  }
0xea: {  	s3 =	sadd.s32 $0x108, s0;
	[tilespmem:s0+$0x178] =	vst.add.f32.msk $0xffff, v1;
	s0 =	sadd.s32 @!p1 s1, s2;
	s2 =	sand.u32 @!p1 $0x7, s29  }
0xeb: {  	[hbm4b:s0+s2] =	stream.linear.scatter @!p1 [tilespmem:s3], [sflag:$0xC], $0x80, $0x38;
	[tilespmem:$0x1F6F8] =	vst v63  }
0xec: {  	s0 =	simm.s32 $0x0  }
0xed: {  	s0 =	simm.s32 @!p1 $0x200  }
0xee: {  	s31 =	sadd.s32 s0, s31  }
.LBB2_16:
0xef: {  	s0 =	sadd.s32 $0x1, s22  }
0xf0: {  	s2 =	smulhi.u32 $0x88888889, s0;
	_ =	sdelay $0x1  }
0xf1: {  	v1 =	vld [tilespmem:s25+$0xFFFFFFC0];
	s2 =	sshrl.u32 s2, $0x7  }
0xf2: {  	s2 =	smul.u32 $0xF0, s2;
	_ =	sdelay $0x1  }
0xf3: {  	s22 =	ssub.s32 s0, s2  }
0xf4: {  	s0 =	sshll.u32 s22, $0x7  }
0xf5: {  	[tilespmem:s0+$0x108] =	vst v1  }
0xf6: {  	v1 =	vld [tilespmem:s25+$0xFFFFFFD0];
	_ =	sdelay $0x4  }
0xf7: {  	[tilespmem:s0+$0x118] =	vst v1  }
0xf8: {  	v1 =	vld [tilespmem:s25+$0xFFFFFFE0];
	_ =	sdelay $0x4  }
0xf9: {  	[tilespmem:s0+$0x128] =	vst v1  }
0xfa: {  	v1 =	vld [tilespmem:s25+$0xFFFFFFF0];
	_ =	sdelay $0x4  }
0xfb: {  	[tilespmem:s0+$0x138] =	vst v1  }
0xfc: {  	v1 =	vld [tilespmem:s25+$0x0];
	_ =	sdelay $0x4  }
0xfd: {  	[tilespmem:s0+$0x148] =	vst v1  }
0xfe: {  	v1 =	vld [tilespmem:s25+$0x10];
	_ =	sdelay $0x4  }
0xff: {  	[tilespmem:s0+$0x158] =	vst v1  }
0x100: {  	v1 =	vld [tilespmem:s25+$0x20];
	_ =	sdelay $0x4  }
0x101: {  	[tilespmem:s0+$0x168] =	vst v1  }
0x102: {  	v1 =	vld [tilespmem:s25+$0x30]  }
.Ltmp15:
0x103: {  	_ = 	snop;
	(pc) =	sbr.rel .LBB2_17-.Ltmp15, $2  }
0x104: {  	_ =	sdelay $0x2  }
0x105: {  	s28 =	sadd.s32 $0x1, s28;
	[tilespmem:s0+$0x178] =	vst v1  }
.LBB2_19:
.Ltmp16:
0x106: {  	(pc) =	sbr.rel .LBB2_20-.Ltmp16, $4  }
0x107: {  	_ = 	snop  }
0x108: {  	s0 =	simm.s32 $0x2  }
0x109: {  	_ =	swait.ge [sflag:s0], $0x0  }
0x10a: {  	s30 =	smov.u32 s29;
	[sflag:s0] =	ssyncset.done $0x0;
	s0 =	simm.s32 $0x0  }
.LBB2_22:
0x10b: {  	_ =	sfence.sel $0x180000  }
0x10c: {  	s0 =	simm.s32 $0x9;
	[bflag:$0x0] =	sbarrier.arrive $0xFFFF  }
0x10d: {  	s24 =	simm.s32 $0xA;
	[sflag:s0] =	ssyncpa.u1 $0x1  }
0x10e: {  	s25 =	simm.s32 $0xB;
	[sflag:s24] =	ssyncpa.u1 $0x1  }
0x10f: {  	s26 =	simm.s32 $0x2;
	[sflag:s25] =	ssyncpa.u1 $0x1  }
0x110: {  	[sflag:s26] =	ssyncpa.u1 $0x1  }
0x111: {  	v0 =	vld [tilespmem:$0xF208];
	_ =	sdelay $0x4  }
0x112: {  	(v2sf) =	vpush v0, $0x0  }
0x113: {  	(v2sf) =	vpush v0, $0x1;
	_ =	sdelay $0x1  }
0x114: {  	(v2sf) =	vpush v0, $0x2;
	_ =	sdelay $0xb  }
0x115: {  	s0 =	spop (v2sf)  }
0x116: {  	s2 =	spop (v2sf)  }
0x117: {  	s3 =	smov.u32 s0;
	p0 =	sne.s32 s0, s2  }
0x118: {  	s4 =	spop (v2sf);
	s3 =	simm.s32 @!p0 $0xFFFFFFFF  }
0x119: {  	v2 =	vimm.s32 $0x1;
	v3 =	vlaneseq.u32;
	p0 =	seq.s32 s4, $0xFFFFFFFF;
	v1 =	vmov s3  }
0x11a: {  	s16 =	stileid.u32;
	v0 =	vperm.xlane v0, v2;
	p1 =	sne.s32 @!p0 s0, s2;
	v1 =	vperm.xlane v1, v3  }
0x11b: {  	vm0 =	vcmask $0x3F04;
	s6 =	simm.s32 $0xF208;
	s0 =	simm.s32 @!p0 $0x1;
	p1 =	por !p1, p0  }
0x11c: {  	s3 =	sshll.u32 s16, $0x1;
	s2 =	sshll.u32 @!p0 s4, $0x9;
	s0 =	simm.s32 @p1 $0x0;
	v0 =	vsel vm0, v1, v0  }
0x11d: {  	s5 =	sor.u32 $0x1000, s3;
	s2 =	sshra.s32 @!p0 s2, $0x2;
	s0 =	sor.u32 @!p0 s0, s3;
	[tilespmem:$0xF208] =	vst v0  }
0x11e: {  	[spmem:s5] =	stream.linear.scatter [tilespmem:s6], [sflag:$0x1], $0x2, $0x38;
	[tilespmem:$0x1F6F8] =	vst v63  }
0x11f: {  	s2 =	sadd.s32 @!p0 $0x108, s2;
	s0 =	sshll.u32 @!p0 s0, $0x7  }
0x120: {  	[spmem:s0] =	stream.linear.scatter @!p0 [tilespmem:s2], [sflag:$0x1], $0x80, $0x38;
	[tilespmem:$0x1F6F8] =	vst v63  }
0x121: {  	s0 =	simm.s32 @!p0 $0x82  }
0x122: {  	s28 =	simm.s32 $0x1;
	s0 =	simm.s32 @p0 $0x2  }
0x123: {  	_ =	swait.ge [sflag:s28], s0  }
0x124: {  	s0 =	ssub.s32 $0x0, s0;
	[sflag:s28] =	ssyncset.done $0x0  }
0x125: {  	p0 =	sne.s32 s16, $0x0;
	[sflag:s28] =	ssyncadd.s32 s0  }
.Ltmp17:
0x126: {  	_ =	sfence.stream.spmem;
	(pc) =	sbr.rel @p0 .LBB2_39-.Ltmp17, $4  }
0x127: {  	s29 =	simm.s32 $0x3;
	[bflag:$0x0] =	sbarrier.arrive $0xFFFF  }
0x128: {  	s30 =	simm.s32 $0x4;
	[sflag:s29] =	ssyncpa.u1 $0x1  }
0x129: {  	s31 =	simm.s32 $0x3C;
	[sflag:s30] =	ssyncpa.u1 $0x1  }
0x12a: {  	s15 =	rddreg [dreg:$0x6];
	[sflag:s31] =	ssyncpa.u1 $0x1  }
0x12b: {  	_ =	sfence.stream.spmem;
	s0 =	simm.s32 $0x5  }
0x12c: {  	s2 =	simm.s32 $0x1000;
	s3 =	simm.s32 $0xF218;
	[sflag:s0] =	ssyncpa.u1 $0x0  }
0x12d: {  	[tilespmem:s3], [sflag:$0x5] =	stream.linear.gather [spmem:s2], $0x20, $0x38;
	[tilespmem:$0x1F6F8] =	vst v63  }
0x12e: {  	s26 =	simm.s32 $0x0;
	s28 =	simm.s32 $0xF238  }
0x12f: {  	[tilespmem:s28], [sflag:$0x5] =	stream.linear.gather [spmem:s26], $0x1000, $0x38;
	[tilespmem:$0x1F6F8] =	vst v63  }
0x130: {  	_ =	swait.ge [sflag:s0], $0x1020  }
0x131: {  	[sflag:s0] =	ssyncset.done $0x0  }
0x132: {  	s29 =	simm.s32 $0x0;
	[sflag:s0] =	ssyncadd.s32 $0xFFFFEFE0  }
0x133: {  	v0 =	vld.msk [tilespmem:s29+$0xF218], $0x1;
	_ =	sdelay $0x1  }
0x134: {  	s30 =	simm.s32 $0x1  }
0x135: {  	v1 =	vld.msk [tilespmem:s30+$0xF218], $0x1;
	_ =	sdelay $0x1  }
0x136: {  	(v2sf) =	vpush v0, $0x0;
	_ =	sdelay $0x2  }
0x137: {  	(v2sf) =	vpush v1, $0x0;
	_ =	sdelay $0x2  }
0x138: {  	s31 =	simm.s32 $0x2  }
0x139: {  	v0 =	vld.msk [tilespmem:s31+$0xF218], $0x1;
	_ =	sdelay $0x2  }
0x13a: {  	s4 =	simm.s32 $0xFFFFFFFF;
	s5 =	simm.s32 $0xFFFFFFFF;
	s0 =	simm.s32 $0xC  }
.LBB2_24:
0x13b: {  	s2 =	smov.u32 s5;
	s3 =	smov.u32 s4  }
0x13c: {  	s4 =	sshra.s32 s0, $0x2;
	p1 =	sne.s32 s0, $0x7C;
	s0 =	sadd.s32 $0x4, s0;
	(v2sf) =	vpush v0, $0x0  }
0x13d: {  	v0 =	vld.msk [tilespmem:s4+$0xF218], $0x1  }
.Ltmp18:
0x13e: {  	(pc) =	sbr.rel @p1 .LBB2_24-.Ltmp18, $4  }
0x13f: {  	s5 =	spop (v2sf)  }
0x140: {  	p2 =	sne.s32 s3, $0xFFFFFFFF;
	s4 =	smov.u32 s5  }
0x141: {  	p3 =	seq.s32 s5, $0xFFFFFFFF;
	s4 =	smov.u32 @p2 s3  }
0x142: {  	s5 =	smov.u32 @p3 s2;
	s4 =	smov.u32 @p3 s3  }
0x143: {  	(v2sf) =	vpush v0, $0x0;
	_ =	sdelay $0x8  }
0x144: {  	s0 =	spop (v2sf)  }
0x145: {  	p1 =	sne.s32 s4, $0xFFFFFFFF;
	s2 =	smov.u32 s0  }
0x146: {  	s9 =	simm.s32 $0x6;
	p2 =	seq.s32 s0, $0xFFFFFFFF;
	s2 =	smov.u32 @p1 s4  }
0x147: {  	s6 =	simm.s32 $0x0;
	s2 =	smov.u32 @p2 s4;
	s3 =	spop (v2sf)  }
0x148: {  	s0 =	smov.u32 @p2 s5;
	p1 =	sne.s32 s2, $0xFFFFFFFF;
	s4 =	smov.u32 s3  }
.Ltmp19:
0x149: {  	p2 =	seq.s32 s3, $0xFFFFFFFF;
	s4 =	smov.u32 @p1 s2;
	(pc) =	sbr.rel .LBB2_26-.Ltmp19, $4  }
0x14a: {  	s10 =	simm.s32 $0xF188;
	s4 =	smov.u32 @p2 s2;
	s7 =	spop (v2sf)  }
0x14b: {  	s11 =	simm.s32 $0x0;
	p1 =	sne.s32 s4, $0xFFFFFFFF;
	s8 =	smov.u32 s7  }
0x14c: {  	s3 =	smov.u32 @p2 s0;
	p2 =	seq.s32 s7, $0xFFFFFFFF;
	s8 =	smov.u32 @p1 s4  }
0x14d: {  	[sflag:s9] =	ssyncpa.u1 $0x0;
	s7 =	smov.u32 @p2 s3;
	s8 =	smov.u32 @p2 s4  }
.LBB2_32:
0x14e: {  	p1 =	sgt.u32 s12, $0xC37F0  }
0x14f: {  	p2 =	seq.s32 @!p1 s12, s8  }
0x150: {  	p1 =	por p1, p2  }
0x151: {  	p2 =	sne.s32 @!p1 s12, s7  }
0x152: {  	p1 =	por p1, !p2  }
0x153: {  	s0 =	sshll.u32 @p1 s11, $0x9  }
0x154: {  	s0 =	sand.u32 @!p1 $0xFFFF8, s12  }
0x155: {  	s2 =	sand.u32 @!p1 $0x7, s12;
	s0 =	sadd.s32 @!p1 s1, s0  }
0x156: {  	[tilespmem:s10], [sflag:$0x6] =	stream.linear.gather @!p1 [hbm4b:s0+s2], $0x80, $0x38;
	[tilespmem:$0x1F6F8] =	vst v63  }
0x157: {  	_ =	swait.ge @!p1 [sflag:s9], $0x80  }
0x158: {  	[sflag:s9] =	ssyncset.done @!p1 $0x0  }
0x159: {  	[sflag:s9] =	ssyncadd.s32 @!p1 $0xFFFFFF80  }
0x15a: {  	v1 =	vld @!p1 [tilespmem:$0xF188];
	_ =	sdelay $0x2  }
0x15b: {  	s0 =	sshll.u32 @!p1 s11, $0x9  }
0x15c: {  	s2 =	sshrl.u32 @!p1 s0, $0x2  }
0x15d: {  	[tilespmem:s2+$0xF238] =	vst.add.f32.msk @!p1 $0xffff, v1  }
0x15e: {  	v1 =	vld @!p1 [tilespmem:$0xF198];
	_ =	sdelay $0x4  }
0x15f: {  	[tilespmem:s2+$0xF248] =	vst.add.f32.msk @!p1 $0xffff, v1  }
0x160: {  	v1 =	vld @!p1 [tilespmem:$0xF1A8];
	_ =	sdelay $0x4  }
0x161: {  	[tilespmem:s2+$0xF258] =	vst.add.f32.msk @!p1 $0xffff, v1  }
0x162: {  	v1 =	vld @!p1 [tilespmem:$0xF1B8];
	_ =	sdelay $0x4  }
0x163: {  	[tilespmem:s2+$0xF268] =	vst.add.f32.msk @!p1 $0xffff, v1  }
0x164: {  	v1 =	vld @!p1 [tilespmem:$0xF1C8];
	_ =	sdelay $0x4  }
0x165: {  	[tilespmem:s2+$0xF278] =	vst.add.f32.msk @!p1 $0xffff, v1  }
0x166: {  	v1 =	vld @!p1 [tilespmem:$0xF1D8];
	_ =	sdelay $0x4  }
0x167: {  	[tilespmem:s2+$0xF288] =	vst.add.f32.msk @!p1 $0xffff, v1  }
0x168: {  	v1 =	vld @!p1 [tilespmem:$0xF1E8];
	_ =	sdelay $0x4  }
0x169: {  	[tilespmem:s2+$0xF298] =	vst.add.f32.msk @!p1 $0xffff, v1  }
0x16a: {  	v1 =	vld @!p1 [tilespmem:$0xF1F8];
	_ =	sdelay $0x4  }
0x16b: {  	[tilespmem:s2+$0xF2A8] =	vst.add.f32.msk @!p1 $0xffff, v1  }
0x16c: {  	s0 =	sshrl.u32 s0, $0x2;
	[tilespmem:s6+$0xF218] =	vst.msk $0x1, v0  }
0x16d: {  	v0 =	vld [tilespmem:s0+$0xF238];
	_ =	sdelay $0x2  }
0x16e: {  	s31 =	sshll.u32 s6, $0x9  }
0x16f: {  	s2 =	sshra.s32 s31, $0x2  }
0x170: {  	[tilespmem:s2+$0xF238] =	vst v0  }
0x171: {  	v0 =	vld [tilespmem:s0+$0xF248];
	_ =	sdelay $0x4  }
0x172: {  	[tilespmem:s2+$0xF248] =	vst v0  }
0x173: {  	v0 =	vld [tilespmem:s0+$0xF258];
	_ =	sdelay $0x4  }
0x174: {  	[tilespmem:s2+$0xF258] =	vst v0  }
0x175: {  	v0 =	vld [tilespmem:s0+$0xF268];
	_ =	sdelay $0x4  }
0x176: {  	[tilespmem:s2+$0xF268] =	vst v0  }
0x177: {  	v0 =	vld [tilespmem:s0+$0xF278];
	_ =	sdelay $0x4  }
0x178: {  	[tilespmem:s2+$0xF278] =	vst v0  }
0x179: {  	v0 =	vld [tilespmem:s0+$0xF288];
	_ =	sdelay $0x4  }
0x17a: {  	[tilespmem:s2+$0xF288] =	vst v0  }
0x17b: {  	v0 =	vld [tilespmem:s0+$0xF298];
	_ =	sdelay $0x4  }
0x17c: {  	[tilespmem:s2+$0xF298] =	vst v0  }
0x17d: {  	v0 =	vld [tilespmem:s0+$0xF2A8];
	_ =	sdelay $0x4  }
0x17e: {  	s6 =	sadd.s32 $0x1, s6;
	[tilespmem:s2+$0xF2A8] =	vst v0  }
.LBB2_33:
0x17f: {  	s11 =	sadd.s32 $0x1, s11  }
0x180: {  	p1 =	sne.s32 s11, $0x20  }
.Ltmp20:
0x181: {  	_ = 	snop;
	(pc) =	sbr.rel @!p1 .LBB2_34-.Ltmp20, $1  }
0x182: {  	_ =	sdelay $0x3  }
.LBB2_26:
0x183: {  	v0 =	vld.msk [tilespmem:s11+$0xF218], $0x1;
	_ =	sdelay $0x4  }
0x184: {  	(v2sf) =	vpush v0, $0x0;
	_ =	sdelay $0xe  }
0x185: {  	s12 =	spop (v2sf)  }
0x186: {  	p1 =	seq.s32 s12, $0xFFFFFFFF  }
.Ltmp21:
0x187: {  	_ = 	snop;
	(pc) =	sbr.rel @p1 .LBB2_33-.Ltmp21, $1  }
0x188: {  	_ =	sdelay $0x3  }
0x189: {  	p1 =	slt.s32 s6, $0x1  }
.Ltmp22:
0x18a: {  	_ = 	snop;
	(pc) =	sbr.rel @p1 .LBB2_32-.Ltmp22, $1  }
0x18b: {  	_ =	sdelay $0x3  }
0x18c: {  	s13 =	simm.s32 $0xF218;
	p1 =	por $0x0, $0x0  }
0x18d: {  	v1 =	vld.msk @!p1 [tilespmem:s13+$0x0], $0x1;
	_ =	sdelay $0x4  }
0x18e: {  	(v2sf) =	vpush @!p1 v1, $0x0;
	_ =	sdelay $0xd  }
0x18f: {  	p3 =	sne.s32 s6, $0x1  }
.Ltmp23:
0x190: {  	s0 =	spop @!p1 (v2sf);
	(pc) =	sbr.rel @!p3 .LBB2_30-.Ltmp23, $4  }
0x191: {  	p2 =	seq.s32 @!p1 s12, s0  }
0x192: {  	s14 =	simm.s32 $0x0;
	p2 =	por !p2, p1  }
0x193: {  	s2 =	simm.s32 $0xFFFFFFFF;
	s14 =	simm.s32 @p2 $0xFFFFFFFF  }
0x194: {  	s0 =	simm.s32 $0x1;
	s14 =	smov.u32 @p1 s2  }
.LBB2_29:
0x195: {  	s2 =	smov.u32 s14;
	p1 =	sne.s32 s14, $0xFFFFFFFF  }
0x196: {  	s13 =	sadd.s32 $0x1, s13;
	s14 =	smov.u32 s0;
	s0 =	sadd.s32 $0x1, s0  }
0x197: {  	p2 =	sne.s32 s6, s0;
	v1 =	vld.msk @!p1 [tilespmem:s13+$0x0], $0x1;
	_ =	sdelay $0x4  }
0x198: {  	(v2sf) =	vpush @!p1 v1, $0x0;
	_ =	sdelay $0xe  }
.Ltmp24:
0x199: {  	s3 =	spop @!p1 (v2sf);
	(pc) =	sbr.rel @p2 .LBB2_29-.Ltmp24, $4  }
0x19a: {  	p3 =	seq.s32 @!p1 s12, s3  }
0x19b: {  	p3 =	por !p3, p1  }
0x19c: {  	s14 =	simm.s32 @p3 $0xFFFFFFFF  }
0x19d: {  	s14 =	smov.u32 @p1 s2  }
.LBB2_30:
0x19e: {  	p1 =	seq.s32 s14, $0xFFFFFFFF  }
.Ltmp25:
0x19f: {  	_ = 	snop;
	(pc) =	sbr.rel @p1 .LBB2_32-.Ltmp25, $1  }
0x1a0: {  	_ =	sdelay $0x3  }
0x1a1: {  	s0 =	sshll.u32 s11, $0x7  }
0x1a2: {  	s0 =	sand.u32 $0x3FFFFF80, s0  }
0x1a3: {  	v0 =	vld [tilespmem:s0+$0xF238];
	_ =	sdelay $0x2  }
0x1a4: {  	s2 =	sshll.u32 s14, $0x9  }
0x1a5: {  	s2 =	sshra.s32 s2, $0x2  }
0x1a6: {  	[tilespmem:s2+$0xF238] =	vst.add.f32.msk $0xffff, v0  }
0x1a7: {  	v0 =	vld [tilespmem:s0+$0xF248];
	_ =	sdelay $0x4  }
0x1a8: {  	[tilespmem:s2+$0xF248] =	vst.add.f32.msk $0xffff, v0  }
0x1a9: {  	v0 =	vld [tilespmem:s0+$0xF258];
	_ =	sdelay $0x4  }
0x1aa: {  	[tilespmem:s2+$0xF258] =	vst.add.f32.msk $0xffff, v0  }
0x1ab: {  	v0 =	vld [tilespmem:s0+$0xF268];
	_ =	sdelay $0x4  }
0x1ac: {  	[tilespmem:s2+$0xF268] =	vst.add.f32.msk $0xffff, v0  }
0x1ad: {  	v0 =	vld [tilespmem:s0+$0xF278];
	_ =	sdelay $0x4  }
0x1ae: {  	[tilespmem:s2+$0xF278] =	vst.add.f32.msk $0xffff, v0  }
0x1af: {  	v0 =	vld [tilespmem:s0+$0xF288];
	_ =	sdelay $0x4  }
0x1b0: {  	[tilespmem:s2+$0xF288] =	vst.add.f32.msk $0xffff, v0  }
0x1b1: {  	v0 =	vld [tilespmem:s0+$0xF298];
	_ =	sdelay $0x4  }
0x1b2: {  	[tilespmem:s2+$0xF298] =	vst.add.f32.msk $0xffff, v0  }
0x1b3: {  	v0 =	vld [tilespmem:s0+$0xF2A8]  }
.Ltmp26:
0x1b4: {  	_ = 	snop;
	(pc) =	sbr.rel .LBB2_33-.Ltmp26, $2  }
0x1b5: {  	_ =	sdelay $0x2  }
0x1b6: {  	[tilespmem:s2+$0xF2A8] =	vst.add.f32.msk $0xffff, v0  }
.LBB2_34:
0x1b7: {  	s0 =	simm.s32 $0x6;
	p1 =	seq.s32 s6, $0x0  }
0x1b8: {  	[sflag:s0] =	ssyncpa.u1 $0x1;
	v0 =	vimm.s32 @p1 $0xFFFFFFFF  }
0x1b9: {  	s9 =	sadd.s32 $0xFFFFFFFF, s6;
	[tilespmem:$0x10238] =	vst @p1 v0  }
0x1ba: {  	v0 =	vld.msk @!p1 [tilespmem:s9+$0xF218], $0x1;
	_ =	sdelay $0x1  }
0x1bb: {  	v1 =	vld.msk @!p1 [tilespmem:$0xF218], $0x1;
	_ =	sdelay $0x2  }
0x1bc: {  	p2 =	seq.s32 @!p1 s9, $0x0;
	v0 =	vbroadcast @!p1 v0, $0x0  }
0x1bd: {  	vm0 =	vmmov @!p1 $0x1;
	p2 =	por !p2, p1  }
0x1be: {  	v1 =	vnsel @!p1 vm0, $0xFFFFFFFF, v1;
	vm0 =	vcmask @!p1 $0x308;
	v0 =	vpsel !p2, $0xFFFFFFFF, v0  }
0x1bf: {  	p2 =	sne.s32 @!p1 s8, s7;
	v0 =	vsel @!p1 vm0, v1, v0  }
0x1c0: {  	s0 =	simm.s32 @!p1 $0xF238;
	s2 =	simm.s32 @!p1 $0x0;
	p3 =	por !p2, p1;
	[tilespmem:$0x10238] =	vst @!p1 v0  }
0x1c1: {  	[spmem:s2] =	stream.linear.scatter @!p1 [tilespmem:s0], [sflag:$0x1], $0x80, $0x38;
	[tilespmem:$0x1F6F8] =	vst v63  }
0x1c2: {  	s0 =	sshll.u32 @!p3 s9, $0x9  }
0x1c3: {  	s0 =	sshra.s32 @!p3 s0, $0x2  }
0x1c4: {  	s2 =	simm.s32 @!p3 $0x80;
	s0 =	sadd.s32 @!p3 $0xF238, s0  }
0x1c5: {  	[spmem:s2] =	stream.linear.scatter @!p3 [tilespmem:s0], [sflag:$0x1], $0x80, $0x38;
	[tilespmem:$0x1F6F8] =	vst v63  }
0x1c6: {  	s0 =	simm.s32 @!p3 $0x1  }
0x1c7: {  	_ =	swait.ge @!p3 [sflag:s0], $0x100  }
0x1c8: {  	p1 =	por p2, p1;
	[sflag:s0] =	ssyncset.done @!p3 $0x0  }
0x1c9: {  	[sflag:s0] =	ssyncadd.s32 @!p3 $0xFFFFFF00;
	s0 =	simm.s32 @!p1 $0x1  }
0x1ca: {  	_ =	swait.ge @!p1 [sflag:s0], $0x80  }
0x1cb: {  	s29 =	simm.s32 $0x10238;
	[sflag:s0] =	ssyncset.done @!p1 $0x0  }
0x1cc: {  	s30 =	simm.s32 $0x1000;
	s31 =	simm.s32 $0x1;
	[sflag:s0] =	ssyncadd.s32 @!p1 $0xFFFFFF80  }
0x1cd: {  	[spmem:s30] =	stream.linear.scatter [tilespmem:s29], [sflag:$0x1], $0x10, $0x38;
	[tilespmem:$0x1F6F8] =	vst v63  }
0x1ce: {  	_ =	swait.ge [sflag:s31], $0x10  }
0x1cf: {  	[sflag:s31] =	ssyncset.done $0x0  }
0x1d0: {  	p1 =	seq.s32 s15, $0x0;
	s8 =	rddreg [dreg:$0x3];
	[sflag:s31] =	ssyncadd.s32 $0xFFFFFFF0  }
0x1d1: {  	s2 =	sshll.u32 @p1 s8, $0xE;
	s7 =	rddreg [dreg:$0x4]  }
0x1d2: {  	s0 =	sadd.s32 @p1 $0x15C3C, s2;
	s2 =	sshll.u32 @p1 s7, $0x11  }
0x1d3: {  	_ =	sfence.stream.spmem;
	s0 =	sor.u32 @p1 s2, s0  }
0x1d4: {  	[sflag:s0] =	ssyncadd.remote.s32 @p1 $0x1;
	s0 =	simm.s32 @p1 $0x4  }
0x1d5: {  	s3 =	simm.s32 @!p1 $0x3C;
	s2 =	sand.u32 $0xFFFFFFFE, s8;
	_ =	swait.ge @p1 [sflag:s0], $0x22  }
0x1d6: {  	s4 =	simm.s32 @!p1 $0x0;
	s2 =	sadd.s32 @!p1 $0x4, s2;
	[sflag:s0] =	ssyncset.done @p1 $0x0  }
0x1d7: {  	s5 =	simm.s32 @!p1 $0x100;
	[sflag:s0] =	ssyncadd.s32 @p1 $0xFFFFFFDE;
	s0 =	sshll.u32 @!p1 s2, $0x1A  }
0x1d8: {  	s2 =	sshll.u32 @!p1 s2, $0xD;
	s0 =	sor.u32 @!p1 s0, s7;
	_ =	swait.eq @!p1 [sflag:s3], $0x1  }
0x1d9: {  	s2 =	sor.u32 @!p1 $0x1C04, s2;
	s3 =	simm.s32 @!p1 $0x1C03;
	s0 =	sor.u32 @!p1 $0x80004000, s0  }
0x1da: {  	[spmem:s5], [sflag:s2] =	dma.general @!p1 [spmem:s4], [sflag:s3], length:$0x20, [dreg:$0x0], stride_count:$0x0, ici_dest:s0, dma_misc:DstOpCode:WRITE  }
0x1db: {  	p2 =	slt.s32 s9, $0x2;
	s4 =	simm.s32 @!p1 $0x200;
	s5 =	simm.s32 @!p1 $0x202  }
0x1dc: {  	[spmem:s5], [sflag:s2] =	dma.general @!p1 [spmem:s4], [sflag:s3], length:$0x2, [dreg:$0x0], stride_count:$0x0, ici_dest:s0, dma_misc:DstOpCode:WRITE  }
.Ltmp27:
0x1dd: {  	s0 =	simm.s32 @!p1 $0x3;
	(pc) =	sbr.rel @p2 .LBB2_38-.Ltmp27, $4  }
0x1de: {  	s2 =	sshll.u32 @!p1 s8, $0xE;
	_ =	swait.ge @!p1 [sflag:s0], $0x22  }
0x1df: {  	s3 =	sshll.u32 @!p1 s7, $0x11;
	s2 =	sadd.s32 @!p1 $0x11C3C, s2;
	[sflag:s0] =	ssyncset.done @!p1 $0x0  }
0x1e0: {  	[sflag:s0] =	ssyncadd.s32 @!p1 $0xFFFFFFDE;
	s0 =	sor.u32 @!p1 s3, s2  }
0x1e1: {  	[sflag:s0] =	ssyncadd.remote.s32 @!p1 $0xFFFFFFFF;
	s0 =	simm.s32 $0x0  }
0x1e2: {  	s0 =	simm.s32 $0xF219  }
0x1e3: {  	v0 =	vld.msk [tilespmem:s0+$0x0], $0x1;
	_ =	sdelay $0x4  }
0x1e4: {  	(v2sf) =	vpush v0, $0x0;
	_ =	sdelay $0xb  }
0x1e5: {  	s31 =	sadd.s32 $0xFFFFFFFE, s6  }
0x1e6: {  	s0 =	sadd.s32 $0xFFFFFFFF, s31  }
0x1e7: {  	p2 =	sne.s32 s0, $0x0  }
.Ltmp28:
0x1e8: {  	s2 =	spop (v2sf);
	(pc) =	sbr.rel @!p2 .LBB2_37-.Ltmp28, $4  }
0x1e9: {  	s4 =	simm.s32 $0xF2B8;
	s7 =	simm.s32 $0x0;
	p1 =	sgt.u32 s2, $0xC37F0  }
0x1ea: {  	s5 =	simm.s32 $0x0;
	s6 =	simm.s32 $0xF21A;
	s3 =	sand.u32 @!p1 $0xFFFF8, s2  }
0x1eb: {  	s2 =	sand.u32 @!p1 $0x7, s2;
	s7 =	simm.s32 @!p1 $0x200;
	s3 =	sadd.s32 @!p1 s1, s3  }
0x1ec: {  	[hbm4b:s3+s2] =	stream.linear.scatter @!p1 [tilespmem:s4], [sflag:$0x5], $0x80, $0x38;
	[tilespmem:$0x1F6F8] =	vst v63  }
.LBB2_36:
0x1ed: {  	v0 =	vld.msk [tilespmem:s6+$0x0], $0x1;
	s0 =	sadd.s32 $0xFFFFFFFF, s0;
	s5 =	sadd.s32 s5, s7  }
0x1ee: {  	p1 =	sne.s32 s0, $0x0;
	_ =	sdelay $0x3  }
0x1ef: {  	(v2sf) =	vpush v0, $0x0;
	_ =	sdelay $0xe  }
.Ltmp29:
0x1f0: {  	s2 =	spop (v2sf);
	(pc) =	sbr.rel @p1 .LBB2_36-.Ltmp29, $4  }
0x1f1: {  	s7 =	simm.s32 $0x0;
	p2 =	sgt.u32 s2, $0xC37F0  }
0x1f2: {  	s4 =	sadd.s32 $0x80, s4;
	s7 =	simm.s32 @!p2 $0x200;
	s3 =	sand.u32 @!p2 $0xFFFF8, s2  }
0x1f3: {  	s6 =	sadd.s32 $0x1, s6;
	s2 =	sand.u32 @!p2 $0x7, s2;
	s3 =	sadd.s32 @!p2 s1, s3  }
0x1f4: {  	[hbm4b:s3+s2] =	stream.linear.scatter @!p2 [tilespmem:s4], [sflag:$0x5], $0x80, $0x38;
	[tilespmem:$0x1F6F8] =	vst v63  }
.LBB2_37:
0x1f5: {  	s0 =	sadd.s32 s5, s7  }
0x1f6: {  	s0 =	sshrl.u32 s0, $0x2  }
.LBB2_38:
0x1f7: {  	s2 =	simm.s32 $0x5  }
0x1f8: {  	_ =	swait.ge [sflag:s2], s0  }
0x1f9: {  	s31 =	ssub.s32 $0x0, s0;
	[sflag:s2] =	ssyncset.done $0x0  }
0x1fa: {  	[sflag:s2] =	ssyncadd.s32 s31  }
0x1fb: {  	[sflag:s2] =	ssyncpa.u1 $0x1  }
.LBB2_39:
0x1fc: {  	s0 =	sor.u32 s15, s16  }
0x1fd: {  	p1 =	sne.s32 s0, $0x0  }
.Ltmp30:
0x1fe: {  	_ = 	snop;
	(pc) =	sbr.rel @p1 .LBB2_54-.Ltmp30, $3  }
0x1ff: {  	_ =	sdelay $0x1  }
0x200: {  	[bflag:$0x0] =	sbarrier.arrive $0xFFFF  }
0x201: {  	_ =	sfence  }
0x202: {  	s0 =	simm.s32 $0x7  }
0x203: {  	s2 =	simm.s32 $0x1000;
	s3 =	simm.s32 $0xF218;
	[sflag:s0] =	ssyncpa.u1 $0x0  }
0x204: {  	[tilespmem:s3], [sflag:$0x7] =	stream.linear.gather [spmem:s2], $0x20, $0x38;
	[tilespmem:$0x1F6F8] =	vst v63  }
0x205: {  	s30 =	simm.s32 $0xF238;
	s2 =	simm.s32 $0x0  }
0x206: {  	[tilespmem:s30], [sflag:$0x7] =	stream.linear.gather [spmem:s2], $0x1000, $0x38;
	[tilespmem:$0x1F6F8] =	vst v63  }
.Ltmp31:
0x207: {  	_ = 	snop;
	(pc) =	sbr.rel .LBB2_41-.Ltmp31, $4  }
0x208: {  	_ =	swait.ge [sflag:s0], $0x1020  }
0x209: {  	[sflag:s0] =	ssyncset.done $0x0  }
0x20a: {  	s31 =	simm.s32 $0x8;
	[sflag:s0] =	ssyncadd.s32 $0xFFFFEFE0  }
0x20b: {  	s3 =	simm.s32 $0x0;
	[sflag:s31] =	ssyncpa.u1 $0x0  }
.LBB2_47:
0x20c: {  	p1 =	slt.u32 s4, $0xC37F1  }
0x20d: {  	s0 =	sand.u32 @p1 $0xFFFF8, s4  }
0x20e: {  	s4 =	sand.u32 @p1 $0x7, s4;
	s5 =	simm.s32 @p1 $0xF188;
	s0 =	sadd.s32 @p1 s1, s0  }
0x20f: {  	[tilespmem:s5], [sflag:$0x8] =	stream.linear.gather @p1 [hbm4b:s0+s4], $0x80, $0x38;
	[tilespmem:$0x1F6F8] =	vst v63  }
0x210: {  	s0 =	simm.s32 @p1 $0x8  }
0x211: {  	_ =	swait.ge @p1 [sflag:s0], $0x80  }
0x212: {  	[sflag:s0] =	ssyncset.done @p1 $0x0  }
0x213: {  	[sflag:s0] =	ssyncadd.s32 @p1 $0xFFFFFF80  }
0x214: {  	v1 =	vld @p1 [tilespmem:$0xF188];
	_ =	sdelay $0x2  }
0x215: {  	s0 =	sshll.u32 @p1 s3, $0x9  }
0x216: {  	s4 =	sshrl.u32 @p1 s0, $0x2  }
0x217: {  	[tilespmem:s4+$0xF238] =	vst.add.f32.msk @p1 $0xffff, v1  }
0x218: {  	v1 =	vld @p1 [tilespmem:$0xF198];
	_ =	sdelay $0x4  }
0x219: {  	[tilespmem:s4+$0xF248] =	vst.add.f32.msk @p1 $0xffff, v1  }
0x21a: {  	v1 =	vld @p1 [tilespmem:$0xF1A8];
	_ =	sdelay $0x4  }
0x21b: {  	[tilespmem:s4+$0xF258] =	vst.add.f32.msk @p1 $0xffff, v1  }
0x21c: {  	v1 =	vld @p1 [tilespmem:$0xF1B8];
	_ =	sdelay $0x4  }
0x21d: {  	[tilespmem:s4+$0xF268] =	vst.add.f32.msk @p1 $0xffff, v1  }
0x21e: {  	v1 =	vld @p1 [tilespmem:$0xF1C8];
	_ =	sdelay $0x4  }
0x21f: {  	[tilespmem:s4+$0xF278] =	vst.add.f32.msk @p1 $0xffff, v1  }
0x220: {  	v1 =	vld @p1 [tilespmem:$0xF1D8];
	_ =	sdelay $0x4  }
0x221: {  	[tilespmem:s4+$0xF288] =	vst.add.f32.msk @p1 $0xffff, v1  }
0x222: {  	v1 =	vld @p1 [tilespmem:$0xF1E8];
	_ =	sdelay $0x4  }
0x223: {  	[tilespmem:s4+$0xF298] =	vst.add.f32.msk @p1 $0xffff, v1  }
0x224: {  	v1 =	vld @p1 [tilespmem:$0xF1F8];
	_ =	sdelay $0x3  }
0x225: {  	s5 =	sshll.u32 @!p1 s3, $0x9  }
0x226: {  	s5 =	smov.u32 @p1 s0;
	[tilespmem:s4+$0xF2A8] =	vst.add.f32.msk @p1 $0xffff, v1  }
0x227: {  	s0 =	sshrl.u32 s5, $0x2;
	[tilespmem:s2+$0xF218] =	vst.msk $0x1, v0  }
0x228: {  	v0 =	vld [tilespmem:s0+$0xF238];
	_ =	sdelay $0x2  }
0x229: {  	s31 =	sshll.u32 s2, $0x9  }
0x22a: {  	s4 =	sshra.s32 s31, $0x2  }
0x22b: {  	[tilespmem:s4+$0xF238] =	vst v0  }
0x22c: {  	v0 =	vld [tilespmem:s0+$0xF248];
	_ =	sdelay $0x4  }
0x22d: {  	[tilespmem:s4+$0xF248] =	vst v0  }
0x22e: {  	v0 =	vld [tilespmem:s0+$0xF258];
	_ =	sdelay $0x4  }
0x22f: {  	[tilespmem:s4+$0xF258] =	vst v0  }
0x230: {  	v0 =	vld [tilespmem:s0+$0xF268];
	_ =	sdelay $0x4  }
0x231: {  	[tilespmem:s4+$0xF268] =	vst v0  }
0x232: {  	v0 =	vld [tilespmem:s0+$0xF278];
	_ =	sdelay $0x4  }
0x233: {  	[tilespmem:s4+$0xF278] =	vst v0  }
0x234: {  	v0 =	vld [tilespmem:s0+$0xF288];
	_ =	sdelay $0x4  }
0x235: {  	[tilespmem:s4+$0xF288] =	vst v0  }
0x236: {  	v0 =	vld [tilespmem:s0+$0xF298];
	_ =	sdelay $0x4  }
0x237: {  	[tilespmem:s4+$0xF298] =	vst v0  }
0x238: {  	v0 =	vld [tilespmem:s0+$0xF2A8];
	_ =	sdelay $0x4  }
0x239: {  	s2 =	sadd.s32 $0x1, s2;
	[tilespmem:s4+$0xF2A8] =	vst v0  }
.LBB2_48:
0x23a: {  	s3 =	sadd.s32 $0x1, s3  }
0x23b: {  	p1 =	sne.s32 s3, $0x20  }
.Ltmp32:
0x23c: {  	_ = 	snop;
	(pc) =	sbr.rel @!p1 .LBB2_49-.Ltmp32, $1  }
0x23d: {  	_ =	sdelay $0x3  }
.LBB2_41:
0x23e: {  	v0 =	vld.msk [tilespmem:s3+$0xF218], $0x1;
	_ =	sdelay $0x4  }
0x23f: {  	(v2sf) =	vpush v0, $0x0;
	_ =	sdelay $0xe  }
0x240: {  	s4 =	spop (v2sf)  }
0x241: {  	p1 =	seq.s32 s4, $0xFFFFFFFF  }
.Ltmp33:
0x242: {  	_ = 	snop;
	(pc) =	sbr.rel @p1 .LBB2_48-.Ltmp33, $1  }
0x243: {  	_ =	sdelay $0x3  }
0x244: {  	p1 =	slt.s32 s2, $0x1  }
.Ltmp34:
0x245: {  	_ = 	snop;
	(pc) =	sbr.rel @p1 .LBB2_47-.Ltmp34, $1  }
0x246: {  	_ =	sdelay $0x3  }
0x247: {  	s5 =	simm.s32 $0xF218;
	p1 =	por $0x0, $0x0  }
0x248: {  	v1 =	vld.msk @!p1 [tilespmem:s5+$0x0], $0x1;
	_ =	sdelay $0x4  }
0x249: {  	(v2sf) =	vpush @!p1 v1, $0x0;
	_ =	sdelay $0xd  }
0x24a: {  	p3 =	sne.s32 s2, $0x1  }
.Ltmp35:
0x24b: {  	s0 =	spop @!p1 (v2sf);
	(pc) =	sbr.rel @!p3 .LBB2_45-.Ltmp35, $4  }
0x24c: {  	p2 =	seq.s32 @!p1 s4, s0  }
0x24d: {  	s6 =	simm.s32 $0x0;
	p2 =	por !p2, p1  }
0x24e: {  	s7 =	simm.s32 $0xFFFFFFFF;
	s6 =	simm.s32 @p2 $0xFFFFFFFF  }
0x24f: {  	s0 =	simm.s32 $0x1;
	s6 =	smov.u32 @p1 s7  }
.LBB2_44:
0x250: {  	s7 =	smov.u32 s6;
	p1 =	sne.s32 s6, $0xFFFFFFFF  }
0x251: {  	s5 =	sadd.s32 $0x1, s5;
	s6 =	smov.u32 s0;
	s0 =	sadd.s32 $0x1, s0  }
0x252: {  	p2 =	sne.s32 s2, s0;
	v1 =	vld.msk @!p1 [tilespmem:s5+$0x0], $0x1;
	_ =	sdelay $0x4  }
0x253: {  	(v2sf) =	vpush @!p1 v1, $0x0;
	_ =	sdelay $0xe  }
.Ltmp36:
0x254: {  	s8 =	spop @!p1 (v2sf);
	(pc) =	sbr.rel @p2 .LBB2_44-.Ltmp36, $4  }
0x255: {  	p3 =	seq.s32 @!p1 s4, s8  }
0x256: {  	p3 =	por !p3, p1  }
0x257: {  	s6 =	simm.s32 @p3 $0xFFFFFFFF  }
0x258: {  	s6 =	smov.u32 @p1 s7  }
.LBB2_45:
0x259: {  	p1 =	seq.s32 s6, $0xFFFFFFFF  }
.Ltmp37:
0x25a: {  	_ = 	snop;
	(pc) =	sbr.rel @p1 .LBB2_47-.Ltmp37, $1  }
0x25b: {  	_ =	sdelay $0x3  }
0x25c: {  	s0 =	sshll.u32 s3, $0x7  }
0x25d: {  	s0 =	sand.u32 $0x3FFFFF80, s0  }
0x25e: {  	v0 =	vld [tilespmem:s0+$0xF238];
	_ =	sdelay $0x2  }
0x25f: {  	s4 =	sshll.u32 s6, $0x9  }
0x260: {  	s4 =	sshra.s32 s4, $0x2  }
0x261: {  	[tilespmem:s4+$0xF238] =	vst.add.f32.msk $0xffff, v0  }
0x262: {  	v0 =	vld [tilespmem:s0+$0xF248];
	_ =	sdelay $0x4  }
0x263: {  	[tilespmem:s4+$0xF248] =	vst.add.f32.msk $0xffff, v0  }
0x264: {  	v0 =	vld [tilespmem:s0+$0xF258];
	_ =	sdelay $0x4  }
0x265: {  	[tilespmem:s4+$0xF258] =	vst.add.f32.msk $0xffff, v0  }
0x266: {  	v0 =	vld [tilespmem:s0+$0xF268];
	_ =	sdelay $0x4  }
0x267: {  	[tilespmem:s4+$0xF268] =	vst.add.f32.msk $0xffff, v0  }
0x268: {  	v0 =	vld [tilespmem:s0+$0xF278];
	_ =	sdelay $0x4  }
0x269: {  	[tilespmem:s4+$0xF278] =	vst.add.f32.msk $0xffff, v0  }
0x26a: {  	v0 =	vld [tilespmem:s0+$0xF288];
	_ =	sdelay $0x4  }
0x26b: {  	[tilespmem:s4+$0xF288] =	vst.add.f32.msk $0xffff, v0  }
0x26c: {  	v0 =	vld [tilespmem:s0+$0xF298];
	_ =	sdelay $0x4  }
0x26d: {  	[tilespmem:s4+$0xF298] =	vst.add.f32.msk $0xffff, v0  }
0x26e: {  	v0 =	vld [tilespmem:s0+$0xF2A8]  }
.Ltmp38:
0x26f: {  	_ = 	snop;
	(pc) =	sbr.rel .LBB2_48-.Ltmp38, $2  }
0x270: {  	_ =	sdelay $0x2  }
0x271: {  	[tilespmem:s4+$0xF2A8] =	vst.add.f32.msk $0xffff, v0  }
.LBB2_49:
0x272: {  	p1 =	slt.s32 s2, $0x1  }
.Ltmp39:
0x273: {  	_ = 	snop;
	(pc) =	sbr.rel @p1 .LBB2_53-.Ltmp39, $3  }
0x274: {  	_ =	sdelay $0x1  }
0x275: {  	s0 =	simm.s32 $0x8  }
0x276: {  	s3 =	simm.s32 $0x0;
	[sflag:s0] =	ssyncpa.u1 $0x1  }
0x277: {  	s0 =	simm.s32 $0xF218  }
0x278: {  	v0 =	vld.msk [tilespmem:s0+$0x0], $0x1;
	_ =	sdelay $0x4  }
0x279: {  	(v2sf) =	vpush v0, $0x0;
	_ =	sdelay $0xe  }
0x27a: {  	s0 =	sadd.s32 $0xFFFFFFFF, s2;
	s5 =	spop (v2sf)  }
0x27b: {  	p2 =	sne.s32 s0, $0x0;
	p1 =	sgt.u32 s5, $0xC37F0  }
.Ltmp40:
0x27c: {  	s6 =	sand.u32 @!p1 $0xFFFF8, s5;
	(pc) =	sbr.rel @!p2 .LBB2_52-.Ltmp40, $4  }
0x27d: {  	s4 =	simm.s32 $0xF238;
	s5 =	sand.u32 @!p1 $0x7, s5;
	s2 =	sadd.s32 @!p1 s1, s6  }
0x27e: {  	[hbm4b:s2+s5] =	stream.linear.scatter @!p1 [tilespmem:s4], [sflag:$0x7], $0x80, $0x38;
	[tilespmem:$0x1F6F8] =	vst v63  }
0x27f: {  	s5 =	simm.s32 $0x0  }
0x280: {  	s2 =	simm.s32 $0xF219;
	s5 =	simm.s32 @!p1 $0x200  }
.LBB2_51:
0x281: {  	v0 =	vld.msk [tilespmem:s2+$0x0], $0x1;
	s0 =	sadd.s32 $0xFFFFFFFF, s0;
	s3 =	sadd.s32 s3, s5  }
0x282: {  	p1 =	sne.s32 s0, $0x0;
	_ =	sdelay $0x3  }
0x283: {  	(v2sf) =	vpush v0, $0x0;
	_ =	sdelay $0xe  }
.Ltmp41:
0x284: {  	s6 =	spop (v2sf);
	(pc) =	sbr.rel @p1 .LBB2_51-.Ltmp41, $4  }
0x285: {  	s5 =	simm.s32 $0x0;
	p2 =	sgt.u32 s6, $0xC37F0  }
0x286: {  	s4 =	sadd.s32 $0x80, s4;
	s5 =	simm.s32 @!p2 $0x200;
	s7 =	sand.u32 @!p2 $0xFFFF8, s6  }
0x287: {  	s2 =	sadd.s32 $0x1, s2;
	s6 =	sand.u32 @!p2 $0x7, s6;
	s7 =	sadd.s32 @!p2 s1, s7  }
0x288: {  	[hbm4b:s7+s6] =	stream.linear.scatter @!p2 [tilespmem:s4], [sflag:$0x7], $0x80, $0x38;
	[tilespmem:$0x1F6F8] =	vst v63  }
.LBB2_52:
0x289: {  	s0 =	sadd.s32 s3, s5  }
0x28a: {  	s3 =	sshrl.u32 s0, $0x2  }
.LBB2_53:
0x28b: {  	s0 =	simm.s32 $0x7  }
0x28c: {  	_ =	swait.ge [sflag:s0], s3  }
0x28d: {  	s1 =	ssub.s32 $0x0, s3;
	[sflag:s0] =	ssyncset.done $0x0  }
0x28e: {  	[sflag:s0] =	ssyncadd.s32 s1  }
0x28f: {  	[sflag:s0] =	ssyncpa.u1 $0x1  }
.LBB2_54:
0x290: {  	_ =	sfence;
	s0 =	simm.s32 $0x1  }
0x291: {  	[sflag:s0] =	ssyncpa.u1 $0x1  }
0x292: {  	_ =	strace $0x9000004A  }
0x293: {  	[bflag:$0x2] =	sbarrier.arrive $0xFFFF  }
0x294: {  	s0 =	rddreg [dreg:$0x5]  }
0x295: {  	s0 =	sadd.s32 @!p0 $0x100000, s0  }
0x296: {  	[sflag:s0] =	ssyncadd.tile.s32 @!p0 $0x1;
	_ =	shalt  }
.Lfunc_end2:
_tile_overlayer_lowered:
.L_overlay_start_2:
0x297: {  	(tag) =	ssettag $0x2  }
0x298: {  	s0 =	rddreg [dreg:$0x0];
	s2 =	stileid.u32  }
0x299: {  	s1 =	rddreg [dreg:$0x1];
	p0 =	sne.s32 s2, $0x0  }
0x29a: {  	s3 =	rddreg [dreg:$0x2];
	[bflag:$0x3] =	sbarrier.arrive $0xFFFF;
	s2 =	simm.s32 @!p0 $0x1C01  }
0x29b: {  	[timem:s3], [sflag:s2] =	dma.local @!p0 [hbm:s0], s1  }
0x29c: {  	s0 =	simm.s32 @!p0 $0x1  }
0x29d: {  	_ =	swait.ge @!p0 [sflag:s0], s1  }
0x29e: {  	s1 =	ssub.s32 @!p0 $0x0, s1;
	[sflag:s0] =	ssyncset.done @!p0 $0x0  }
0x29f: {  	[sflag:s0] =	ssyncadd.s32 @!p0 s1  }
0x2a0: {  	[bflag:$0x3] =	sbarrier.arrive $0xFFFF  }
0x2a1: {  	_ =	shalt  }

// kernel: scatter_offload_async_start
scs
__scs_entry_jumppad:
0x0: {  	(pc) =	sbr.rel $0x88, $3  }
0x1: {  	(tag) =	ssettag $0x0;
	lr =	simm.s32 $0x1  }
0x2: {  	[smem:$0x3F96] =	sst lr;
	_ =	strace $0xD0000000  }
0x3: {  	_ = 	snop  }
0x4: {  	_ = 	snop  }
0x5: {  	_ = 	snop  }
0x6: {  	_ = 	snop  }
0x7: {  	_ = 	snop  }
__scs_overlays_trampoline_lowered:
0x8: {  	[smem:$0x3FA5] =	sst s0  }
0x9: {  	[smem:$0x3FA6] =	sst s1  }
0xa: {  	[smem:$0x3FA7] =	sst s2  }
0xb: {  	[smem:$0x3FA8] =	sst s3  }
0xc: {  	[smem:$0x3FA9] =	sst s4  }
0xd: {  	[smem:$0x3FAA] =	sst s5  }
0xe: {  	[smem:$0x3FAB] =	sst s6  }
0xf: {  	[smem:$0x3FAC] =	sst s7  }
0x10: {  	[smem:$0x3FAD] =	sst s8  }
0x11: {  	[smem:$0x3FAE] =	sst s9;
	s0 =	simm.s32 @!p0 $0x0  }
0x12: {  	s1 =	sld [smem:$0x3F94];
	s0 =	simm.s32 @p0 $0x1  }
0x13: {  	[smem:$0x3FAF] =	sst s0;
	s0 =	simm.s32 @!p1 $0x0  }
0x14: {  	s2 =	sld [smem:$0x3F93];
	s0 =	simm.s32 @p1 $0x1  }
0x15: {  	[smem:$0x3FB0] =	sst s0;
	s0 =	simm.s32 @!p2 $0x0  }
0x16: {  	s3 =	sld [smem:$0x3FDB];
	s0 =	simm.s32 @p2 $0x1  }
0x17: {  	s4 =	simm.s32 $0x1BF5;
	[smem:$0x3FB2] =	sst s0  }
0x18: {  	s0 =	sld [smem:$0x3F95];
	_ =	swait.ge [sflag:s4], $0x0  }
0x19: {  	s7 =	sld [smem:$0x3F96]  }
0x1a: {  	s8 =	sadd.s32 $0xFFFFE003, lr  }
0x1b: {  	s9 =	sadd.s32 $0xFFFFFEF7, lr;
	s5 =	simm.s32 $0xFFFFFFFF;
	p2 =	slt.u32 s8, $0xFFFFF086  }
0x1c: {  	p1 =	slt.u32 s9, $0xF7A;
	s5 =	simm.s32 @!p2 $0x0  }
0x1d: {  	s5 =	simm.s32 @p1 $0x1;
	p0 =	seq.s32 s7, s2  }
0x1e: {  	s7 =	smul.u32 @!p0 $0xF7A, s2;
	p2 =	seq.s32 @!p0 s5, $0x0  }
0x1f: {  	s9 =	smul.u32 $0xF7A, s1;
	s8 =	simm.s32 @!p0 $0x1BF5;
	p2 =	por !p2, p0  }
0x20: {  	[sflag:s8] =	ssyncset.s32 @!p0 $0xFFFFF086;
	s6 =	sadd.s32 @!p0 s3, s7;
	s7 =	simm.s32 @!p0 $0x108  }
0x21: {  	s3 =	sadd.s32 s3, s9;
	s6 =	sadd.s32 @!p0 $0x88, s6;
	s7 =	simm.s32 @p2 $0x1082  }
0x22: {  	[simem:s7], [sflag:s8] =	dma.local @!p0 [hbm:s6], $0xF7A  }
0x23: {  	s9 =	sor.u32 $0xD0000000, s2;
	s6 =	simm.s32 $0x108;
	_ =	swait.ge @!p0 [sflag:s8], $0x0  }
0x24: {  	s3 =	sadd.s32 $0x88, s3;
	s6 =	simm.s32 @!p1 $0x1082;
	[sflag:s4] =	ssyncset.s32 $0xFFFFF086  }
0x25: {  	[simem:s6], [sflag:s4] =	dma.local [hbm:s3], $0xF7A  }
0x26: {  	[smem:$0x3F96] =	sst s1;
	(tag) =	ssettag s2;
	_ =	strace s9  }
0x27: {  	s1 =	sld [smem:$0x3FA6]  }
0x28: {  	s2 =	sld [smem:$0x3FA7]  }
0x29: {  	s4 =	sld [smem:$0x3FA9]  }
0x2a: {  	p0 =	seq.s32 s5, $0x0;
	s5 =	sld [smem:$0x3FAA]  }
0x2b: {  	s6 =	sld [smem:$0x3FAB]  }
0x2c: {  	s7 =	sld [smem:$0x3FAC]  }
0x2d: {  	s3 =	simm.s32 $0x108;
	s8 =	sld [smem:$0x3FAD]  }
0x2e: {  	s3 =	simm.s32 @!p0 $0x1082;
	s9 =	sld [smem:$0x3FAE]  }
0x2f: {  	lr =	sadd.s32 s0, s3;
	s0 =	sld [smem:$0x3FA5]  }
0x30: {  	s3 =	sld [smem:$0x3FA8]  }
0x31: {  	[smem:$0x3FB1] =	sst s10  }
0x32: {  	s10 =	sld [smem:$0x3FAF];
	_ =	sdelay $0x3  }
0x33: {  	p0 =	seq.s32 s10, $0x1;
	s10 =	sld [smem:$0x3FB1];
	_ =	sdelay $0x3  }
0x34: {  	[smem:$0x3FB1] =	sst s10  }
0x35: {  	s10 =	sld [smem:$0x3FB0];
	_ =	sdelay $0x3  }
0x36: {  	p1 =	seq.s32 s10, $0x1;
	s10 =	sld [smem:$0x3FB1];
	_ =	sdelay $0x3  }
0x37: {  	[smem:$0x3FB1] =	sst s10  }
0x38: {  	s10 =	sld [smem:$0x3FB2]  }
0x39: {  	_ = 	snop;
	(pc) =	sbr.ind lr, $3  }
0x3a: {  	_ = 	snop  }
0x3b: {  	_ = 	snop  }
0x3c: {  	p2 =	seq.s32 s10, $0x1;
	s10 =	sld [smem:$0x3FB1]  }
0x3d: {  	_ =	shalt  }
0x3e: {  	_ =	shalt  }
0x3f: {  	_ =	shalt  }
0x40: {  	_ =	shalt  }
0x41: {  	_ =	shalt  }
0x42: {  	_ =	shalt  }
0x43: {  	_ =	shalt  }
0x44: {  	_ =	shalt  }
0x45: {  	_ =	shalt  }
0x46: {  	_ =	shalt  }
0x47: {  	_ =	shalt  }
0x48: {  	_ =	shalt  }
0x49: {  	_ =	shalt  }
0x4a: {  	_ =	shalt  }
0x4b: {  	_ =	shalt  }
0x4c: {  	_ =	shalt  }
0x4d: {  	_ =	shalt  }
0x4e: {  	_ =	shalt  }
0x4f: {  	_ =	shalt  }
0x50: {  	_ =	shalt  }
0x51: {  	_ =	shalt  }
0x52: {  	_ =	shalt  }
0x53: {  	_ =	shalt  }
0x54: {  	_ =	shalt  }
0x55: {  	_ =	shalt  }
0x56: {  	_ =	shalt  }
0x57: {  	_ =	shalt  }
0x58: {  	_ =	shalt  }
0x59: {  	_ =	shalt  }
0x5a: {  	_ =	shalt  }
0x5b: {  	_ =	shalt  }
0x5c: {  	_ =	shalt  }
0x5d: {  	_ =	shalt  }
0x5e: {  	_ =	shalt  }
0x5f: {  	_ =	shalt  }
0x60: {  	_ =	shalt  }
0x61: {  	_ =	shalt  }
0x62: {  	_ =	shalt  }
0x63: {  	_ =	shalt  }
0x64: {  	_ =	shalt  }
0x65: {  	_ =	shalt  }
0x66: {  	_ =	shalt  }
0x67: {  	_ =	shalt  }
0x68: {  	_ =	shalt  }
0x69: {  	_ =	shalt  }
0x6a: {  	_ =	shalt  }
0x6b: {  	_ =	shalt  }
0x6c: {  	_ =	shalt  }
0x6d: {  	_ =	shalt  }
0x6e: {  	_ =	shalt  }
0x6f: {  	_ =	shalt  }
0x70: {  	_ =	shalt  }
0x71: {  	_ =	shalt  }
0x72: {  	_ =	shalt  }
0x73: {  	_ =	shalt  }
0x74: {  	_ =	shalt  }
0x75: {  	_ =	shalt  }
0x76: {  	_ =	shalt  }
0x77: {  	_ =	shalt  }
0x78: {  	_ =	shalt  }
0x79: {  	_ =	shalt  }
0x7a: {  	_ =	shalt  }
0x7b: {  	_ =	shalt  }
0x7c: {  	_ =	shalt  }
0x7d: {  	_ =	shalt  }
0x7e: {  	_ =	shalt  }
0x7f: {  	_ =	shalt  }
0x80: {  	_ =	shalt  }
0x81: {  	_ =	shalt  }
0x82: {  	_ =	shalt  }
0x83: {  	_ =	shalt  }
0x84: {  	_ =	shalt  }
0x85: {  	_ =	shalt  }
0x86: {  	_ =	shalt  }
0x87: {  	_ =	shalt  }
.Lfunc_end0:
.L_simem_size_0:
called_computation_lowered:
.L_overlay_start_0:
0x88: {  	s0 =	sld [smem:$0x3FD9]  }
0x89: {  	s1 =	sld [smem:$0x3FFE];
	_ =	sdelay $0x3  }
0x8a: {  	s0 =	sadd.s32 s1, s0  }
0x8b: {  	[smem:$0x3FBD] =	sst s0  }
0x8c: {  	_ = 	snop  }
0x8d: {  	(tm) =	ssettm $0x1  }
0x8e: {  	s15 =	sld [smem:$0x3FFB];
	_ =	sdelay $0x3  }
0x8f: {  	_ =	strace s15  }
0x90: {  	s0 =	sld [smem:$0x3FFC];
	_ =	sdelay $0x3  }
0x91: {  	_ =	strace s0  }
0x92: {  	s0 =	sld [smem:$0x3FFD];
	_ =	sdelay $0x3  }
0x93: {  	_ =	strace s0  }
0x94: {  	_ =	strace $0x8FFFFFFF  }
0x95: {  	s16 =	sld [smem:$0x3FDB];
	_ =	sdelay $0x1  }
0x96: {  	s17 =	simm.s32 $_scs_section_size  }
0x97: {  	s2 =	simm.s32 $_size__tile_overlayer_lowered;
	s3 =	simm.s32 $_tile_overlayer_lowered  }
0x98: {  	s20 =	simm.s32 $0x1BFF;
	s19 =	sshll.u32 s3, $0x1;
	s0 =	sadd.s32 s17, s16  }
0x99: {  	s4 =	simm.s32 $0x0;
	s18 =	sshll.u32 s2, $0x1;
	s2 =	sadd.s32 s19, s0  }
0x9a: {  	[timem:s4], [sflag:s20] =	dma.local [hbm:s2], s18  }
0x9b: {  	_ =	swait.ge [sflag:s20], s18  }
0x9c: {  	s1 =	ssub.s32 $0x0, s18;
	[sflag:s20] =	ssyncset.done $0x0  }
0x9d: {  	[sflag:s20] =	ssyncadd.s32 s1;
	_ =	sdelay $0x1  }
0x9e: {  	s21 =	simm.s32 $0x1B8B  }
0x9f: {  	_ =	swait.ge [sflag:s21], $0x1  }
0xa0: {  	[sflag:s21] =	ssyncset.done $0x0  }
0xa1: {  	s23 =	simm.s32 $0x1B8E;
	s22 =	sld [smem:$0x3FFE];
	[sflag:s21] =	ssyncadd.s32 $0xFFFFFFFF  }
0xa2: {  	s24 =	simm.s32 $execute0_lowered;
	[smem:$0x3FD2] =	sst s23  }
0xa3: {  	s2 =	sshll.u32 s24, $0x1;
	_ =	strace $0x80000046;
	[dreg:$0x1] =	wrdreg $0xFFFFFFFF  }
0xa4: {  	s25 =	simm.s32 $_size_execute0_lowered;
	s0 =	sadd.s32 s0, s2;
	[dreg:$0x0] =	wrdreg $0x0  }
0xa5: {  	s2 =	sshll.u32 s25, $0x1;
	[dreg:$0x2] =	wrdreg s0  }
0xa6: {  	[dreg:$0x3] =	wrdreg s2  }
0xa7: {  	[dreg:$0x4] =	wrdreg $0xC0  }
0xa8: {  	_ =	task [dreg:s4], $0x5FFFF  }
0xa9: {  	[dreg:$0x1] =	wrdreg $0xFFFFFFFF  }
0xaa: {  	[dreg:$0x0] =	wrdreg $0x60  }
0xab: {  	[dreg:$0x2] =	wrdreg s22  }
0xac: {  	[dreg:$0x3] =	wrdreg $0x9  }
0xad: {  	_ =	task.clear_ibuf [dreg:s4], $0x4FFFF;
	_ =	strace $0x90000046  }
0xae: {  	s26 =	simm.s32 $0x9;
	_ =	strace $0x80000048  }
0xaf: {  	_ =	swait.ge [sflag:s26], $0x1  }
0xb0: {  	[sflag:s26] =	ssyncadd.s32 $0xFFFFFFFF  }
0xb1: {  	_ =	strace $0x90000048  }
0xb2: {  	_ =	sfence  }
0xb3: {  	s28 =	sld [smem:$0x0];
	_ =	sdelay $0x1  }
0xb4: {  	s29 =	srdreg.scid  }
0xb5: {  	s30 =	sshll.u32 s29, $0xD;
	s31 =	sshrl.u32 s29, $0x2  }
0xb6: {  	s1 =	sand.u32 $0x1, s29;
	s2 =	sand.u32 $0x4000, s30;
	s0 =	sadd.s32 s31, s28  }
0xb7: {  	s1 =	sor.u32 s2, s1;
	s0 =	sshll.u32 s0, $0x11  }
0xb8: {  	s0 =	sor.u32 s0, s1  }
0xb9: {  	s0 =	sadd.s32 $0x8F2B, s0  }
0xba: {  	[sflag:s0] =	ssyncadd.remote.s32 $0x1  }
0xbb: {  	_ =	sfence.sel $0xFFFF  }
0xbc: {  	[dreg:$0x0] =	wrdreg $0xFFFFFFFF;
	(pc) =	sbr.abs _section_cstart, $3  }
0xbd: {  	[dreg:$0x1] =	wrdreg $0xFFFFFFFF  }
0xbe: {  	_ =	task.clear_ibuf [dreg:s4], $0x2FFFF;
	_ =	strace $0x9FFFFFFF  }
0xbf: {  	(tm) =	ssettm $0x7FFFFFFF  }
tec
execute0_lowered:
.L_overlay_start_1:
0x0: {  	(tag) =	ssettag $0x1  }
0x1: {  	s0 =	rddreg [dreg:$0x0];
	s14 =	stileid.u32  }
0x2: {  	_ =	strace $0x80000047;
	s2 =	simm.s32 $0x1;
	s1 =	smul.u32 $0x7, s14  }
0x3: {  	v1 =	vimm.s32 $0xFFFFFFFF;
	s3 =	smin.u32 s14, $0xD;
	[sflag:s2] =	ssyncpa.u1 $0x0  }
0x4: {  	[tilespmem:$0x10] =	vst v1;
	s1 =	sadd.s32 s3, s1  }
0x5: {  	v0 =	vimm.f32 $0.0e+00;
	p0 =	slt.u32 s14, $0xD;
	[tilespmem:$0x20] =	vst v1;
	s3 =	smul.u32 $0xFA0, s1;
	s1 =	simm.s32 $0x7D00  }
0x6: {  	[tilespmem:$0x30] =	vst v0;
	s1 =	simm.s32 @!p0 $0x6D60  }
0x7: {  	[tilespmem:$0x40] =	vst v0;
	s1 =	sadd.s32 s1, s3  }
0x8: {  	[tilespmem:$0x50] =	vst v0;
	s4 =	smin.u32 s1, $0x7A120  }
0x9: {  	[tilespmem:$0x60] =	vst v1;
	s9 =	ssub.s32 s4, s3  }
0xa: {  	s7 =	simm.s32 $0x2;
	s8 =	simm.s32 $0x8;
	[tilespmem:$0x70] =	vst v1;
	p0 =	sgt.s32 s9, $0x0  }
0xb: {  	s31 =	simm.s32 $0x9;
	s16 =	simm.s32 $0x0;
	[tilespmem:$0x80] =	vst v1;
	s9 =	simm.s32 @!p0 $0x0  }
0xc: {  	s17 =	simm.s32 $0xF0;
	s18 =	simm.s32 $0xFFFFFFFF;
	v1 =	vimm.s32 $0x0;
	[tilespmem:$0xB0] =	vst v0;
	s5 =	smulhi.u32 $0x10624DD3, s9  }
0xd: {  	s19 =	simm.s32 $0xFFFFE1C0;
	s20 =	simm.s32 $0xFFFFFFFE;
	s21 =	simm.s32 $0xF;
	[tilespmem:$0x90] =	vst v1  }
0xe: {  	[tilespmem:$0xA0] =	vst v1;
	[sflag:s7] =	ssyncpa.u1 $0x0;
	s7 =	simm.s32 $0x7;
	s10 =	sshrl.u32 s5, $0x8  }
0xf: {  	s25 =	simm.s32 $0x0;
	[sflag:s7] =	ssyncpa.u1 $0x0;
	s11 =	smul.u32 $0xFA0, s10  }
0x10: {  	s24 =	simm.s32 $0x0;
	s6 =	sadd.s32 $0x2F000, s0;
	[sflag:s8] =	ssyncpa.u1 $0x0  }
.Ltmp0:
0x11: {  	[sflag:s31] =	ssyncpa.u1 $0x0;
	p0 =	sne.s32 s9, s11;
	(pc) =	sbr.rel .LBB2_1-.Ltmp0, $4  }
0x12: {  	s23 =	smov.u32 s3;
	s1 =	sadd.s32 $0x3E600, s0;
	s2 =	simm.s32 @!p0 $0x0  }
0x13: {  	s5 =	sadd.s32 $0x1FA00, s0;
	p0 =	por $0x0, $0x0;
	s9 =	sadd.s32 s2, s10  }
0x14: {  	vm0 =	vmmov $0xffff;
	v2 =	vlaneseq.u32;
	s10 =	sshll.u32 s14, $0x1;
	s14 =	sshllo.u32 s14, $0x1;
	s11 =	sadd.s32 $0x1, s9  }
0x15: {  	vm1 =	vmxor vm1, vm1;
	vm2 =	vmmov $0x1;
	vm3 =	vcmask $0x3F3C;
	s12 =	sadd.s32 $0x2, s9;
	s13 =	sor.u32 $0x81, s10;
	s15 =	sor.u32 $0x80, s10  }
.LBB2_9:
0x16: {  	p1 =	slt.u32 s24, $0x3  }
0x17: {  	s0 =	simm.s32 @!p1 $0x2  }
0x18: {  	_ =	swait.ge @!p1 [sflag:s0], $0xFA0  }
0x19: {  	[sflag:s0] =	ssyncset.done @!p1 $0x0  }
0x1a: {  	[sflag:s0] =	ssyncadd.s32 @!p1 $0xFFFFF060;
	s0 =	simm.s32 @!p1 $0x9  }
0x1b: {  	_ =	swait.ge @!p1 [sflag:s0], $0x10  }
0x1c: {  	[sflag:s0] =	ssyncset.done @!p1 $0x0  }
0x1d: {  	[sflag:s0] =	ssyncadd.s32 @!p1 $0xFFFFFFF0;
	p1 =	sne.s32 s24, s12  }
.Ltmp1:
0x1e: {  	s2 =	sadd.s32 $0xFA0, s23;
	(pc) =	sbr.rel @!p1 .LBB2_10-.Ltmp1, $4  }
0x1f: {  	s22 =	smov.u32 s3;
	s31 =	sadd.s32 $0x1, s24;
	s17 =	sadd.s32 $0xFA0, s17  }
0x20: {  	s18 =	sadd.s32 $0x1, s18;
	s25 =	smov.u32 s23;
	p2 =	slt.s32 s2, s4  }
0x21: {  	p0 =	por !p0, !p0;
	s19 =	sadd.s32 $0xFA0, s19;
	s22 =	smov.u32 @p2 s2  }
0x22: {  	s20 =	sadd.s32 $0x1, s20;
	s23 =	smov.u32 s22;
	s24 =	smov.u32 s31  }
.LBB2_1:
0x23: {  	p1 =	sge.u32 s24, s9  }
0x24: {  	s0 =	smulhi.u32 @!p1 $0xAAAAAAAB, s24;
	_ =	sdelay $0x1  }
0x25: {  	s0 =	sshrl.u32 @!p1 s0, $0x1  }
0x26: {  	s0 =	smul.u32 @!p1 $0x3, s0;
	_ =	sdelay $0x1  }
0x27: {  	s0 =	ssub.s32 @!p1 s24, s0  }
0x28: {  	s0 =	smul.u32 @!p1 $0x3E80, s0;
	_ =	sdelay $0x1  }
0x29: {  	s2 =	sshrl.u32 @!p1 s23, $0x3;
	s0 =	sshrl.u32 @!p1 s0, $0x2  }
0x2a: {  	s22 =	sand.u32 @!p1 $0x7, s23;
	s2 =	sadd.s32 @!p1 s5, s2;
	s0 =	sadd.s32 @!p1 $0x100, s0  }
0x2b: {  	[tilespmem:s0], [sflag:$0x7] =	stream.linear.gather @!p1 [hbm4b:s2+s22], $0xFA0, $0x38;
	[tilespmem:$0x8DC0] =	vst v63  }
0x2c: {  	s0 =	sadd.s32 $0xFFFFFFFF, s24  }
0x2d: {  	p1 =	sge.u32 s0, s9  }
.Ltmp2:
0x2e: {  	_ = 	snop;
	(pc) =	sbr.rel @p1 .LBB2_5-.Ltmp2, $1  }
0x2f: {  	_ =	sdelay $0x3  }
0x30: {  	s2 =	smulhi.u32 $0xAAAAAAAB, s0;
	_ =	sdelay $0x1  }
0x31: {  	s2 =	sshrl.u32 s2, $0x1  }
0x32: {  	s2 =	smul.u32 $0x3, s2;
	_ =	sdelay $0x1  }
0x33: {  	s2 =	ssub.s32 s0, s2  }
0x34: {  	s2 =	smul.u32 $0x3E80, s2  }
0x35: {  	_ =	swait.ge [sflag:s7], $0xFA0  }
0x36: {  	[sflag:s7] =	ssyncset.done $0x0;
	s2 =	sshrl.u32 s2, $0x2  }
0x37: {  	[sflag:s7] =	ssyncadd.s32 $0xFFFFF060;
	(ifvalue) =	ssetifvalue $0xFFFFFFFF;
	v3 =	vld.msk [tilespmem:s2+$0x100 ss:$0x1], $0xffff;
	_ =	sdelay $0x2  }
0x38: {  	s30 =	smulhi.u32 $0xAAAAAAAB, s18;
	p1 =	sne.s32 s24, $0x1  }
0x39: {  	v4 =	vimm.s32 @!p1 $0x0  }
0x3a: {  	s2 =	sshrl.u32 s30, $0x1;
	v4 =	vperm.xlane @!p1 v3, v4  }
0x3b: {  	s22 =	sshll.u32 s24, $0x4;
	s2 =	smul.u32 $0xFFFF4480, s2;
	vm4 =	vlt.u32 v3, $0xC400  }
0x3c: {  	s22 =	sand.u32 $0x10, s22;
	v3 =	vnsel vm4, $0xFFFFFFFE, v3;
	vm4 =	vlt.u32 @!p1 v4, $0xC400  }
0x3d: {  	s2 =	sshra.s32 s2, $0x2;
	[tilespmem:s22+$0x60] =	vst v3;
	v3 =	vnsel @!p1 vm4, $0xFFFFFFFE, v4  }
0x3e: {  	s28 =	sadd.s32 s2, s17;
	[tilespmem:$0x80] =	vst @!p1 v3  }
0x3f: {  	v3 =	vld.msk [tilespmem:s28+$0x0 ss:$0x1], $0xffff;
	_ =	sdelay $0x4  }
0x40: {  	(xrf1) =	vunique.msk.u32 $0xffff, v3;
	_ =	sdelay $0xd  }
0x41: {  	v4 =	vimm.s32 $0xFFFFFFFF;
	v5, _, _ =	vpop (xrf1)  }
0x42: {  	vm5 =	vne.s32 v3, v4;
	vm4 =	veq.s32 v5, v2  }
0x43: {  	vm6 =	vlt.u32 v3, $0xC400;
	vm4 =	vmand vm5, vm4  }
0x44: {  	vm4 =	vmand vm6, vm4  }
0x45: {  	v4 =	vnsel vm4, $0xFFFFFFFF, v3  }
0x46: {  	s31 =	sand.u32 $0x1, s0  }
0x47: {  	s0 =	simm.s32 $0xFA0;
	p1 =	seq.s32 s31, $0x1  }
0x48: {  	s0 =	simm.s32 @!p1 $0x0  }
0x49: {  	s26 =	sadd.s32 $0x3F70, s0;
	(ifvalue) =	ssetifvalue $0xFFFFFFFF  }
0x4a: {  	v3 =	vperm.xlane v3, v1;
	[tilespmem:s26], [sflag:$0x8] =	stream.indirect_vreg.gather [hbm4b:s1+s16], $0x1, v4, vm0, $0x4038;
	v4 =	vnsel vm6, $0xFFFFFFFE, v4;
	[tilespmem:$0x8DC0] =	vst v63  }
0x4b: {  	s2 =	simm.s32 $0x0;
	s22 =	sadd.s32 $0xFFFFFFF0, s28;
	[tilespmem:s28+$0x0] =	vst v4  }
.LBB2_3:
0x4c: {  	v4 =	vld.msk [tilespmem:s22+$0x0 ss:$0x1], $0xffff;
	s2 =	sadd.s32 $0x10, s2;
	v5 =	vmov v3;
	s28 =	smov.u32 s22  }
0x4d: {  	p1 =	slt.u32 s2, $0xF90;
	_ =	sdelay $0x4  }
0x4e: {  	v3 =	vperm.xlane v4, v1;
	(xrf1) =	vunique.msk.u32 $0xffff, v4;
	_ =	sdelay $0xd  }
0x4f: {  	v6, _, _ =	vpop (xrf1)  }
0x50: {  	vm5 =	vne.s32 v4, v5;
	vm4 =	veq.s32 v6, v2  }
0x51: {  	vm6 =	vlt.u32 v4, $0xC400;
	vm4 =	vmand vm5, vm4  }
0x52: {  	vm4 =	vmand vm6, vm4  }
0x53: {  	v4 =	vnsel vm4, $0xFFFFFFFF, v4  }
.Ltmp3:
0x54: {  	v5 =	vnsel vm6, $0xFFFFFFFE, v4;
	(pc) =	sbr.rel @p1 .LBB2_3-.Ltmp3, $3  }
0x55: {  	_ =	sdelay $0x1  }
0x56: {  	s22 =	sadd.s32 $0xFFFFFFF0, s22;
	s26 =	sadd.s32 $0xFFFFFFF0, s26;
	(ifvalue) =	ssetifvalue $0xFFFFFFFF  }
0x57: {  	[tilespmem:s26], [sflag:$0x8] =	stream.indirect_vreg.gather [hbm4b:s1+s16], $0x1, v4, vm0, $0x4038;
	[tilespmem:s28+$0x0] =	vst v5  }
0x58: {  	s2 =	sshrl.u32 s25, $0x3  }
0x59: {  	s0 =	sadd.s32 $0x4F20, s0;
	s2 =	sadd.s32 s6, s2  }
0x5a: {  	[tilespmem:s0], [sflag:$0x8] =	stream.linear.gather [hbm:s2], $0xFA0, $0x38;
	[tilespmem:$0x8DC0] =	vst v63  }
.LBB2_5:
0x5b: {  	p1 =	slt.u32 s24, $0x2  }
0x5c: {  	p2 =	sge.u32 @!p1 s24, s12  }
0x5d: {  	p1 =	por p1, p2  }
.Ltmp4:
0x5e: {  	_ = 	snop;
	(pc) =	sbr.rel @p1 .LBB2_9-.Ltmp4, $1  }
0x5f: {  	_ =	sdelay $0x3  }
0x60: {  	s0 =	sadd.s32 $0xFFFFFFFE, s24  }
0x61: {  	s2 =	smulhi.u32 $0xAAAAAAAB, s0;
	_ =	sdelay $0x1  }
0x62: {  	s2 =	sshrl.u32 s2, $0x1  }
0x63: {  	s2 =	smul.u32 $0x3, s2;
	_ =	sdelay $0x1  }
0x64: {  	s0 =	ssub.s32 s0, s2  }
0x65: {  	_ =	swait.ge [sflag:s8], $0x1F40;
	s0 =	smul.u32 $0xFA0, s0  }
0x66: {  	p1 =	sne.s32 s24, s11;
	[sflag:s8] =	ssyncset.done $0x0  }
0x67: {  	[sflag:s8] =	ssyncadd.s32 $0xFFFFE0C0;
	s2 =	sadd.s32 @!p1 $0x109F, s0  }
0x68: {  	[spmem:s13] =	stream.linear.scatter @!p1 [tilespmem:s2], [sflag:$0x1], $0x1, $0x38;
	[tilespmem:$0x8DC0] =	vst v63  }
0x69: {  	s2 =	simm.s32 @!p1 $0x1  }
0x6a: {  	_ =	swait.ge @!p1 [sflag:s2], $0x1  }
0x6b: {  	s22 =	sshll.u32 s24, $0x4;
	[sflag:s2] =	ssyncset.done @!p1 $0x0  }
0x6c: {  	s25 =	sand.u32 $0x10, s22;
	[sflag:s2] =	ssyncadd.s32 @!p1 $0xFFFFFFFF  }
0x6d: {  	s2 =	sxor.u32 $0x10, s25;
	v4 =	vld [tilespmem:s25+$0x10]  }
0x6e: {  	v5 =	vld [tilespmem:s2+$0x60]  }
0x6f: {  	v3 =	vld [tilespmem:$0x80];
	_ =	sdelay $0x2  }
0x70: {  	(v2sf) =	vpush v4, $0x0  }
0x71: {  	(v2sf) =	vpush v5, $0x0  }
0x72: {  	(v2sf) =	vpush v3, $0x0;
	_ =	sdelay $0xc  }
0x73: {  	s22 =	spop (v2sf)  }
0x74: {  	s26 =	spop (v2sf)  }
0x75: {  	s28 =	spop (v2sf)  }
0x76: {  	p2 =	seq.s32 s22, s26;
	p3 =	seq.s32 s28, s22  }
0x77: {  	p3 =	por p2, p3  }
0x78: {  	s26 =	sand.u32 $0x1, s24;
	v4 =	vpsel p3, $0xFFFFFFFF, v4  }
0x79: {  	s29 =	smul.u32 $0xFA0, s26;
	[tilespmem:s25+$0x10] =	vst.msk $0x1, v4  }
0x7a: {  	v4 =	vld [tilespmem:$0x30]  }
0x7b: {  	v5 =	vld [tilespmem:s29+$0x4F20]  }
0x7c: {  	v6 =	vld [tilespmem:s25+$0x40];
	_ =	sdelay $0x3  }
0x7d: {  	vm4 =	vmmov vm1;
	v5 =	vadd.f32 v5, v4  }
0x7e: {  	vm5 =	vmmov vm2;
	vm4 =	vmmov @p2 vm2;
	s22 =	sshll.u32 s26, $0x4;
	v4 =	vadd.f32 v6, v4  }
0x7f: {  	s26 =	sor.u32 $0x8DA0, s22;
	vm5 =	vmmov @p3 vm1;
	[tilespmem:s29+$0x4F20] =	vst.msk vm4, v5  }
0x80: {  	[tilespmem:s26+$0x0] =	vst.msk vm5, v4  }
0x81: {  	v4 =	vld [tilespmem:s29+$0x3F70];
	_ =	sdelay $0x3  }
0x82: {  	v5 =	vimm.f32 $0.0e+00  }
0x83: {  	v4 =	vshift.insert v4, v5, s21  }
0x84: {  	s22 =	sor.u32 $0x40, s2  }
0x85: {  	[tilespmem:s22+$0x0] =	vst.msk $0x1, v4  }
0x86: {  	[tilespmem:s29+$0x3F7F] =	vst.msk $0x1, v5  }
0x87: {  	v4 =	vld [tilespmem:s0+$0x1090];
	_ =	sdelay $0x1  }
0x88: {  	s22 =	smulhi.u32 $0xAAAAAAAB, s20;
	s0 =	simm.s32 $0x1  }
0x89: {  	s0 =	simm.s32 @!p0 $0x0  }
0x8a: {  	s22 =	sshrl.u32 s22, $0x1;
	s0 =	smul.u32 $0x3E80, s0  }
0x8b: {  	s22 =	smul.u32 $0xFFFF4480, s22;
	v4 =	vshift.insert v4, v1, s21  }
0x8c: {  	s0 =	sshrl.u32 s0, $0x2  }
0x8d: {  	s22 =	sshra.s32 s22, $0x2;
	s30 =	sadd.s32 $0x4F20, s0;
	[tilespmem:s2+$0x10] =	vst.msk $0x1, v4  }
0x8e: {  	s22 =	sadd.s32 s22, s19;
	v6 =	vld [tilespmem:s30+$0x0]  }
0x8f: {  	v7 =	vld [tilespmem:s22+$0x0];
	_ =	sdelay $0x3  }
0x90: {  	v5 =	vadd.f32 v6, v5  }
0x91: {  	vm4 =	vne.s32 v7, $0xFFFFFFFF  }
0x92: {  	(xrf2) =	vadd.seg.scan.f32 vm4, v5;
	_ =	sdelay $0x3  }
0x93: {  	s31 =	sadd.s32 $0x2FE0, s0;
	v5 =	vperm.xlane v4, v1  }
0x94: {  	v6 =	vld [tilespmem:s31+$0x0]  }
0x95: {  	vm5 =	veq.s32 v7, v3;
	vm6 =	veq.s32 v7, v5  }
0x96: {  	vm7 =	vgt.u32 v7, $0xFFFFFFFD;
	vm6 =	vmor vm6, vm5  }
0x97: {  	vm6 =	vmor vm6, vm7  }
0x98: {  	v9 =	vld [tilespmem:$0xA0];
	v7 =	vsel vm6, $0xFFFFFFFF, v7  }
0x99: {  	v10 =	vld [tilespmem:$0x90];
	v6 =	vsel vm5, $0x0, v6;
	v8, _, _ =	vpop (xrf2)  }
0x9a: {  	v6 =	vadd.f32 v8, v6  }
0x9b: {  	s0 =	sadd.s32 $0x6E60, s0  }
0x9c: {  	vm4 =	vmand vm4, vm3;
	[tilespmem:s0+$0x0] =	vst v6;
	(ifvalue) =	ssetifvalue $0xFFFFFFFF  }
0x9d: {  	vm6 =	veq.s32 v9, $0x1;
	[hbm4b:s1+s16] =	stream.indirect_vreg.scatter [tilespmem:s0], [sflag:$0x2], $0x1, v7, vm0, $0x4038;
	v7 =	vsel vm4, $0x0, v8;
	[tilespmem:$0x8DC0] =	vst v63  }
0x9e: {  	s2 =	simm.s32 $0x0;
	s22 =	sadd.s32 $0x10, s22;
	vm4 =	vmor vm6, vm5;
	v6 =	vsel vm5, v8, v10;
	v7 =	vshift.insert v7, v0, s21  }
.LBB2_7:
0x9f: {  	v8 =	vld [tilespmem:s22+$0x0];
	s30 =	sadd.s32 $0x10, s30  }
0xa0: {  	s31 =	sadd.s32 $0x10, s31;
	v9 =	vld [tilespmem:s30+$0x0]  }
0xa1: {  	s2 =	sadd.s32 $0x10, s2;
	v10 =	vld [tilespmem:s31+$0x0]  }
0xa2: {  	p2 =	slt.u32 s2, $0xF90;
	_ =	sdelay $0x2  }
0xa3: {  	v7 =	vadd.f32 v9, v7  }
0xa4: {  	vm5 =	vne.s32 v8, $0xFFFFFFFF  }
0xa5: {  	vm6 =	vmand vm5, vm3;
	(xrf2) =	vadd.seg.scan.f32 vm5, v7;
	_ =	sdelay $0x5  }
0xa6: {  	vm7 =	veq.s32 v8, v5;
	vm5 =	veq.s32 v8, v3  }
0xa7: {  	vm8 =	vgt.u32 v8, $0xFFFFFFFD;
	vm4 =	vmor vm4, vm5;
	vm7 =	vmor vm7, vm5  }
0xa8: {  	vm7 =	vmor vm7, vm8  }
0xa9: {  	v8 =	vsel vm7, $0xFFFFFFFF, v8  }
.Ltmp5:
0xaa: {  	v7 =	vsel vm5, $0x0, v10;
	v9, _, _ =	vpop (xrf2);
	(pc) =	sbr.rel @p2 .LBB2_7-.Ltmp5, $4  }
0xab: {  	v6 =	vsel vm5, v9, v6;
	v10 =	vadd.f32 v9, v7;
	v7 =	vsel vm6, $0x0, v9  }
0xac: {  	s0 =	sadd.s32 $0x10, s0;
	v7 =	vshift.insert v7, v0, s21  }
0xad: {  	s22 =	sadd.s32 $0x10, s22;
	[tilespmem:s0+$0x0] =	vst v10;
	(ifvalue) =	ssetifvalue $0xFFFFFFFF  }
0xae: {  	[hbm4b:s1+s16] =	stream.indirect_vreg.scatter [tilespmem:s0], [sflag:$0x2], $0x1, v8, vm0, $0x4038;
	[tilespmem:$0x8DC0] =	vst v63  }
0xaf: {  	v3 =	vld [tilespmem:s29+$0x7DF0];
	_ =	sdelay $0x4  }
0xb0: {  	v3 =	vshift.insert v3, v0, s21  }
0xb1: {  	s0 =	simm.s32 $0x30  }
0xb2: {  	[tilespmem:s0+$0x0] =	vst.msk $0x1, v3  }
0xb3: {  	v3 =	vsel vm4, $0x1, v1;
	[tilespmem:$0x90] =	vst v6  }
0xb4: {  	s0 =	sadd.s32 @!p1 $0x7DFF, s29;
	[tilespmem:$0xA0] =	vst v3  }
0xb5: {  	[spmem:s14] =	stream.linear.scatter @!p1 [tilespmem:s0], [sflag:$0x1], $0x1, $0x38;
	[tilespmem:$0x8DC0] =	vst v63  }
0xb6: {  	s0 =	simm.s32 @!p1 $0x1  }
0xb7: {  	v3 =	vmctz.xlane @!p1 vm4;
	_ =	swait.ge @!p1 [sflag:s0], $0x1  }
0xb8: {  	(v2sf) =	vpush @!p1 v4, $0x0  }
0xb9: {  	(v2sf) =	vpush @!p1 v3, $0x0;
	_ =	sdelay $0xd  }
0xba: {  	s2 =	spop @!p1 (v2sf)  }
0xbb: {  	s22 =	spop @!p1 (v2sf)  }
0xbc: {  	p2 =	sne.s32 @!p1 s28, s2;
	p3 =	slt.s32 @!p1 s22, $0xF  }
0xbd: {  	[sflag:s0] =	ssyncset.done @!p1 $0x0;
	p2 =	por p2, p1;
	p3 =	por !p3, p1  }
0xbe: {  	[sflag:s0] =	ssyncadd.s32 @!p1 $0xFFFFFFFF;
	v3 =	vimm.s32 @!p2 $0xFFFFFFFF;
	s22 =	simm.s32 @p3 $0xF  }
0xbf: {  	[tilespmem:$0x80] =	vst @!p2 v3;
	s2 =	sadd.s32 @!p1 $0x90, s22  }
0xc0: {  	[spmem:s10] =	stream.linear.scatter @!p1 [tilespmem:s2], [sflag:$0x1], $0x1, $0x38;
	[tilespmem:$0x8DC0] =	vst v63  }
0xc1: {  	_ =	swait.ge @!p1 [sflag:s0], $0x1  }
0xc2: {  	[sflag:s0] =	ssyncset.done @!p1 $0x0  }
0xc3: {  	s2 =	simm.s32 @!p1 $0x80;
	[sflag:s0] =	ssyncadd.s32 @!p1 $0xFFFFFFFF  }
0xc4: {  	[spmem:s15] =	stream.linear.scatter @!p1 [tilespmem:s2], [sflag:$0x1], $0x1, $0x38;
	[tilespmem:$0x8DC0] =	vst v63  }
0xc5: {  	_ =	swait.ge @!p1 [sflag:s0], $0x1  }
0xc6: {  	[sflag:s0] =	ssyncset.done @!p1 $0x0  }
0xc7: {  	[sflag:s0] =	ssyncadd.s32 @!p1 $0xFFFFFFFF;
	(ifvalue) =	ssetifvalue $0xFFFFFFFF;
	v3 =	vld [tilespmem:s25+$0x10];
	_ =	sdelay $0x3  }
.Ltmp6:
0xc8: {  	_ = 	snop;
	(pc) =	sbr.rel .LBB2_9-.Ltmp6, $3  }
0xc9: {  	_ =	sdelay $0x1  }
0xca: {  	(ifvalue) =	ssetifvalue $0xFFFFFFFF  }
0xcb: {  	[hbm4b:s1+s16] =	stream.indirect_vreg.scatter [tilespmem:s26], [sflag:$0x9], $0x1, v3, vm0, $0x4038;
	[tilespmem:$0x8DC0] =	vst v63  }
.LBB2_10:
0xcc: {  	_ =	sfence.sel $0x180000  }
0xcd: {  	s0 =	simm.s32 $0x7;
	[bflag:$0x0] =	sbarrier.arrive $0xFFFF  }
0xce: {  	s26 =	simm.s32 $0x8;
	[sflag:s0] =	ssyncpa.u1 $0x1  }
0xcf: {  	s28 =	simm.s32 $0x9;
	[sflag:s26] =	ssyncpa.u1 $0x1  }
0xd0: {  	[sflag:s28] =	ssyncpa.u1 $0x1  }
0xd1: {  	_ =	sfence.stream.spmem  }
0xd2: {  	s29 =	simm.s32 $0x3;
	[bflag:$0x0] =	sbarrier.arrive $0xFFFF  }
0xd3: {  	s30 =	simm.s32 $0x4;
	[sflag:s29] =	ssyncpa.u1 $0x1  }
0xd4: {  	s31 =	simm.s32 $0x3C;
	s2 =	stileid.u32;
	[sflag:s30] =	ssyncpa.u1 $0x1  }
0xd5: {  	p0 =	sne.s32 s2, $0x0;
	[sflag:s31] =	ssyncpa.u1 $0x1  }
0xd6: {  	s0 =	simm.s32 @p0 $0x1;
	_ =	sfence @p0  }
0xd7: {  	[sflag:s0] =	ssyncpa.u1 @p0 $0x1;
	s0 =	simm.s32 @p0 $0x2  }
0xd8: {  	[sflag:s0] =	ssyncpa.u1 @p0 $0x1  }
0xd9: {  	_ =	strace @p0 $0x90000047  }
0xda: {  	[bflag:$0x2] =	sbarrier.arrive @p0 $0xFFFF  }
0xdb: {  	_ =	shalt @p0  }
.LBB2_11:
0xdc: {  	_ =	sfence.stream.spmem;
	s0 =	simm.s32 $0x5  }
0xdd: {  	s2 =	simm.s32 $0x80;
	s3 =	simm.s32 $0xC0;
	[sflag:s0] =	ssyncpa.u1 $0x0  }
0xde: {  	[tilespmem:s3], [sflag:$0x5] =	stream.linear.gather [spmem:s2], $0x20, $0x38;
	[tilespmem:$0x8DC0] =	vst v63  }
0xdf: {  	s2 =	simm.s32 $0x0;
	s3 =	simm.s32 $0xE0  }
0xe0: {  	[tilespmem:s3], [sflag:$0x5] =	stream.linear.gather [spmem:s2], $0x20, $0x38;
	[tilespmem:$0x8DC0] =	vst v63  }
.Ltmp7:
0xe1: {  	_ = 	snop;
	(pc) =	sbr.rel .LBB2_12-.Ltmp7, $4  }
0xe2: {  	_ =	swait.ge [sflag:s0], $0x40  }
0xe3: {  	[sflag:s0] =	ssyncset.done $0x0  }
0xe4: {  	s31 =	simm.s32 $0x6;
	[sflag:s0] =	ssyncadd.s32 $0xFFFFFFC0  }
0xe5: {  	s4 =	simm.s32 $0x0;
	[sflag:s31] =	ssyncpa.u1 $0x0  }
.LBB2_17:
0xe6: {  	p0 =	sgt.u32 s5, $0xC3FF  }
0xe7: {  	s0 =	sshrl.u32 @!p0 s5, $0x3  }
0xe8: {  	s5 =	sand.u32 @!p0 $0x7, s5;
	s6 =	simm.s32 @!p0 $0xB0;
	s0 =	sadd.s32 @!p0 s1, s0  }
0xe9: {  	[tilespmem:s6], [sflag:$0x6] =	stream.linear.gather @!p0 [hbm4b:s0+s5], $0x1, $0x38;
	[tilespmem:$0x8DC0] =	vst v63  }
0xea: {  	s0 =	simm.s32 @!p0 $0x6  }
0xeb: {  	_ =	swait.ge @!p0 [sflag:s0], $0x1  }
0xec: {  	[sflag:s0] =	ssyncset.done @!p0 $0x0  }
0xed: {  	[sflag:s0] =	ssyncadd.s32 @!p0 $0xFFFFFFFF  }
0xee: {  	v2 =	vmov @!p0 s4;
	v1 =	vld.msk @!p0 [tilespmem:$0xB0], $0x1;
	_ =	sdelay $0x3  }
0xef: {  	s0 =	simm.s32 @!p0 $0xE0  }
0xf0: {  	[tilespmem:v2+s0+$0x0], v1 =	vst.idx.ret.add.f32.msk @!p0 $0x1, v1  }
0xf1: {  	[tilespmem:s2+$0xC0] =	vst.msk $0x1, v0  }
0xf2: {  	v0 =	vld.msk [tilespmem:s4+$0xE0], $0x1;
	_ =	sdelay $0x4  }
0xf3: {  	[tilespmem:s2+$0xE0] =	vst.msk $0x1, v0;
	s2 =	sadd.s32 $0x1, s2  }
.LBB2_19:
0xf4: {  	s4 =	sadd.s32 $0x1, s4  }
0xf5: {  	p0 =	sne.s32 s4, $0x20  }
.Ltmp8:
0xf6: {  	_ = 	snop;
	(pc) =	sbr.rel @!p0 .LBB2_20-.Ltmp8, $1  }
0xf7: {  	_ =	sdelay $0x3  }
.LBB2_12:
0xf8: {  	v0 =	vld.msk [tilespmem:s4+$0xC0], $0x1;
	_ =	sdelay $0x4  }
0xf9: {  	(v2sf) =	vpush v0, $0x0;
	_ =	sdelay $0xe  }
0xfa: {  	s5 =	spop (v2sf)  }
0xfb: {  	p0 =	seq.s32 s5, $0xFFFFFFFF  }
.Ltmp9:
0xfc: {  	_ = 	snop;
	(pc) =	sbr.rel @p0 .LBB2_19-.Ltmp9, $1  }
0xfd: {  	_ =	sdelay $0x3  }
0xfe: {  	p0 =	slt.s32 s2, $0x1  }
.Ltmp10:
0xff: {  	_ = 	snop;
	(pc) =	sbr.rel @p0 .LBB2_17-.Ltmp10, $1  }
0x100: {  	_ =	sdelay $0x3  }
0x101: {  	s0 =	simm.s32 $0xC0;
	p0 =	por $0x0, $0x0  }
0x102: {  	v1 =	vld.msk @!p0 [tilespmem:s0+$0x0], $0x1;
	_ =	sdelay $0x4  }
0x103: {  	(v2sf) =	vpush @!p0 v1, $0x0;
	_ =	sdelay $0xd  }
0x104: {  	p2 =	sne.s32 s2, $0x1  }
.Ltmp11:
0x105: {  	s6 =	spop @!p0 (v2sf);
	(pc) =	sbr.rel @!p2 .LBB2_16-.Ltmp11, $4  }
0x106: {  	p1 =	seq.s32 @!p0 s5, s6  }
0x107: {  	s6 =	simm.s32 $0x0;
	p1 =	por !p1, p0  }
0x108: {  	s8 =	simm.s32 $0xFFFFFFFF;
	s6 =	simm.s32 @p1 $0xFFFFFFFF  }
0x109: {  	s7 =	simm.s32 $0x1;
	s6 =	smov.u32 @p0 s8  }
.LBB2_15:
0x10a: {  	s8 =	smov.u32 s6;
	p0 =	sne.s32 s6, $0xFFFFFFFF  }
0x10b: {  	s0 =	sadd.s32 $0x1, s0;
	s6 =	smov.u32 s7;
	s7 =	sadd.s32 $0x1, s7  }
0x10c: {  	p1 =	sne.s32 s2, s7;
	v1 =	vld.msk @!p0 [tilespmem:s0+$0x0], $0x1;
	_ =	sdelay $0x4  }
0x10d: {  	(v2sf) =	vpush @!p0 v1, $0x0;
	_ =	sdelay $0xe  }
.Ltmp12:
0x10e: {  	s9 =	spop @!p0 (v2sf);
	(pc) =	sbr.rel @p1 .LBB2_15-.Ltmp12, $4  }
0x10f: {  	p2 =	seq.s32 @!p0 s5, s9  }
0x110: {  	p2 =	por !p2, p0  }
0x111: {  	s6 =	simm.s32 @p2 $0xFFFFFFFF  }
0x112: {  	s6 =	smov.u32 @p0 s8  }
.LBB2_16:
0x113: {  	p0 =	sne.s32 s6, $0xFFFFFFFF  }
.Ltmp13:
0x114: {  	_ = 	snop;
	(pc) =	sbr.rel @!p0 .LBB2_17-.Ltmp13, $1  }
0x115: {  	_ =	sdelay $0x3  }
0x116: {  	v0 =	vld.msk [tilespmem:s4+$0xE0], $0x1;
	v1 =	vmov s6  }
.Ltmp14:
0x117: {  	_ = 	snop;
	(pc) =	sbr.rel .LBB2_19-.Ltmp14, $2  }
0x118: {  	_ =	sdelay $0x2  }
0x119: {  	[tilespmem:v1+s3+$0x0], v0 =	vst.idx.ret.add.f32.msk $0x1, v0  }
.LBB2_20:
0x11a: {  	p0 =	slt.s32 s2, $0x1  }
.Ltmp15:
0x11b: {  	_ = 	snop;
	(pc) =	sbr.rel @p0 .LBB2_24-.Ltmp15, $3  }
0x11c: {  	_ =	sdelay $0x1  }
0x11d: {  	s0 =	simm.s32 $0x6  }
0x11e: {  	s3 =	simm.s32 $0x0;
	[sflag:s0] =	ssyncpa.u1 $0x1  }
0x11f: {  	s0 =	simm.s32 $0xC0  }
0x120: {  	v0 =	vld.msk [tilespmem:s0+$0x0], $0x1;
	_ =	sdelay $0x4  }
0x121: {  	(v2sf) =	vpush v0, $0x0;
	_ =	sdelay $0xe  }
0x122: {  	s2 =	sadd.s32 $0xFFFFFFFF, s2;
	s4 =	spop (v2sf)  }
0x123: {  	p1 =	sne.s32 s2, $0x0;
	p0 =	sgt.u32 s4, $0xC3FF  }
.Ltmp16:
0x124: {  	s5 =	sshrl.u32 @!p0 s4, $0x3;
	(pc) =	sbr.rel @!p1 .LBB2_23-.Ltmp16, $4  }
0x125: {  	s0 =	simm.s32 $0xE0;
	s4 =	sand.u32 @!p0 $0x7, s4;
	s5 =	sadd.s32 @!p0 s1, s5  }
0x126: {  	[hbm4b:s5+s4] =	stream.linear.scatter @!p0 [tilespmem:s0], [sflag:$0x5], $0x1, $0x38;
	[tilespmem:$0x8DC0] =	vst v63  }
0x127: {  	s5 =	simm.s32 $0x0  }
0x128: {  	s4 =	simm.s32 $0xC1;
	s5 =	simm.s32 @!p0 $0x4  }
.LBB2_22:
0x129: {  	v0 =	vld.msk [tilespmem:s4+$0x0], $0x1;
	s2 =	sadd.s32 $0xFFFFFFFF, s2;
	s3 =	sadd.s32 s3, s5  }
0x12a: {  	p0 =	sne.s32 s2, $0x0;
	_ =	sdelay $0x3  }
0x12b: {  	(v2sf) =	vpush v0, $0x0;
	_ =	sdelay $0xe  }
.Ltmp17:
0x12c: {  	s6 =	spop (v2sf);
	(pc) =	sbr.rel @p0 .LBB2_22-.Ltmp17, $4  }
0x12d: {  	s5 =	simm.s32 $0x0;
	p1 =	sgt.u32 s6, $0xC3FF  }
0x12e: {  	s0 =	sadd.s32 $0x1, s0;
	s5 =	simm.s32 @!p1 $0x4;
	s7 =	sshrl.u32 @!p1 s6, $0x3  }
0x12f: {  	s4 =	sadd.s32 $0x1, s4;
	s6 =	sand.u32 @!p1 $0x7, s6;
	s7 =	sadd.s32 @!p1 s1, s7  }
0x130: {  	[hbm4b:s7+s6] =	stream.linear.scatter @!p1 [tilespmem:s0], [sflag:$0x5], $0x1, $0x38;
	[tilespmem:$0x8DC0] =	vst v63  }
.LBB2_23:
0x131: {  	s0 =	sadd.s32 s3, s5  }
0x132: {  	s3 =	sshrl.u32 s0, $0x2  }
.LBB2_24:
0x133: {  	s0 =	simm.s32 $0x5  }
0x134: {  	_ =	swait.ge [sflag:s0], s3  }
0x135: {  	s1 =	ssub.s32 $0x0, s3;
	[sflag:s0] =	ssyncset.done $0x0  }
0x136: {  	[sflag:s0] =	ssyncadd.s32 s1  }
0x137: {  	[sflag:s0] =	ssyncpa.u1 $0x1  }
0x138: {  	s29 =	simm.s32 $0x1;
	_ =	sfence  }
0x139: {  	s30 =	simm.s32 $0x2;
	[sflag:s29] =	ssyncpa.u1 $0x1  }
0x13a: {  	[sflag:s30] =	ssyncpa.u1 $0x1  }
0x13b: {  	_ =	strace $0x90000047  }
0x13c: {  	[bflag:$0x2] =	sbarrier.arrive $0xFFFF  }
0x13d: {  	s31 =	rddreg [dreg:$0x1]  }
0x13e: {  	s0 =	sadd.s32 $0x100000, s31  }
0x13f: {  	[sflag:s0] =	ssyncadd.tile.s32 $0x1;
	_ =	shalt  }
.Lfunc_end2:
_tile_overlayer_lowered:
.L_overlay_start_2:
0x140: {  	(tag) =	ssettag $0x2  }
0x141: {  	s0 =	rddreg [dreg:$0x0];
	s2 =	stileid.u32  }
0x142: {  	s1 =	rddreg [dreg:$0x1];
	p0 =	sne.s32 s2, $0x0  }
0x143: {  	s3 =	rddreg [dreg:$0x2];
	[bflag:$0x3] =	sbarrier.arrive $0xFFFF;
	s2 =	simm.s32 @!p0 $0x1C01  }
0x144: {  	[timem:s3], [sflag:s2] =	dma.local @!p0 [hbm:s0], s1  }
0x145: {  	s0 =	simm.s32 @!p0 $0x1  }
0x146: {  	_ =	swait.ge @!p0 [sflag:s0], s1  }
0x147: {  	s1 =	ssub.s32 @!p0 $0x0, s1;
	[sflag:s0] =	ssyncset.done @!p0 $0x0  }
0x148: {  	[sflag:s0] =	ssyncadd.s32 @!p0 s1  }
0x149: {  	[bflag:$0x3] =	sbarrier.arrive $0xFFFF  }
0x14a: {  	_ =	shalt  }

</sc_bundles>
